<compile_context>
chip_gen: v7x
topology: tpu7x:2x2x1
jax: 0.10.2.dev20260603
libtpu: 0.0.44.dev20260713+nightly
codegen_flags: <defaults>
</compile_context>

<pallas_src>
import functools

import jax
import jax.numpy as jnp
from jax import lax
from jax.experimental import pallas as pl
from jax.experimental.pallas import tpu as pltpu
from jax.experimental.pallas import tpu_sc as plsc

NC = 2
NS = 16
NW = NC * NS
LANES = 16
WIN = 128


@functools.lru_cache(maxsize=None)
def _make_emb(b, embed_dim):
  mesh = plsc.VectorSubcoreMesh(core_axis_name="c", subcore_axis_name="s")
  b_per_w = b // NW
  n_groups = b_per_w // LANES
  n_rows = embed_dim // LANES

  @functools.partial(
      pl.kernel,
      mesh=mesh,
      compiler_params=pltpu.CompilerParams(needs_layout_passes=False),
      out_type=jax.ShapeDtypeStruct((embed_dim, b), jnp.float32),
      scratch_types=[
          pltpu.VMEM((b_per_w,), jnp.int32),
          pltpu.VMEM((LANES, embed_dim, WIN), jnp.float32),
          pltpu.VMEM((embed_dim, WIN), jnp.float32),
          pltpu.SemaphoreType.DMA,
      ],
  )
  def emb(idx_hbm, tbl_t_hbm, out_hbm, idx_v, win_v, dims_v, sem):
    wid = lax.axis_index("s") * NC + lax.axis_index("c")
    base = wid * b_per_w
    pltpu.sync_copy(idx_hbm.at[wid], idx_v)
    row_iota = [
        lax.iota(jnp.int32, LANES) + k * LANES for k in range(n_rows)
    ]

    def body(g):
      vec = idx_v[pl.ds(g * LANES, LANES)]
      copies = []
      for l in range(LANES):
        lane_base = pl.multiple_of((vec[l] >> 7) << 7, WIN)
        copies.append(
            pltpu.async_copy(
                tbl_t_hbm.at[:, pl.ds(lane_base, WIN)], win_v.at[l], sem))
      col_in_group = (g & 7) * LANES
      for l in range(LANES):
        copies[l].wait()
        col = jnp.broadcast_to(vec[l] & 127, (LANES,))
        pos = jnp.broadcast_to(col_in_group + l, (LANES,))
        for k in range(n_rows):
          vals = plsc.load_gather(win_v.at[l], [row_iota[k], col])
          plsc.store_scatter(dims_v, [row_iota[k], pos], vals)

      @pl.when((g & 7) == 7)
      def _flush():
        out_base = pl.multiple_of(base + ((g >> 3) << 7), WIN)
        pltpu.sync_copy(dims_v, out_hbm.at[:, pl.ds(out_base, WIN)])

    pl.loop(0, n_groups)(body)

  return emb


@jax.jit
def kernel(cls_idx, table):
  b = cls_idx.shape[0]
  embed_dim = table.shape[1]
  idx = cls_idx.astype(jnp.int32).reshape(NW, b // NW)
  out_t = _make_emb(b, embed_dim)(idx, table.T)
  return out_t.T.reshape(b, 1, embed_dim)

# --- scband reference (transcript-rebuilt; emitter-appended) ---
"""Pipeline reference for scband-class-embedder-8632884265361 (READ-ONLY COPY).

The authoritative reference and input builder live on the scoring server;
editing this copy changes nothing except your own understanding.
"""

import jax, jax.numpy as jnp
import numpy as np

B = 16384
N_CLASSES = 1000000
EMBED_DIM = 32

def setup_inputs(seed: int = 0) -> dict:
    key = jax.random.key(seed)
    k1, k2 = jax.random.split(key)
    cls_idx = jax.random.randint(k1, (B,), 0, N_CLASSES, dtype=jnp.int64 if jax.config.read('jax_enable_x64') else jnp.int32)
    # nn.Embedding default init: N(0, 1)
    table = jax.random.normal(k2, (N_CLASSES, EMBED_DIM), dtype=jnp.float32)
    return {"cls_idx": cls_idx, "table": table}

def reference(cls_idx, table):
    # ClassEmbedder.forward: c = batch[key][:, None]; c = self.embedding(c)
    c = cls_idx[:, None]                      # [B, 1]
    out = jnp.take(table, c, axis=0)          # [B, 1, embed_dim]
    return out

if __name__ == "__main__":
    import jax
    _d = setup_inputs()
    print(jax.jit(kernel)(*tuple(_d.values())))

</pallas_src>

<mosaic_0001>
#map = affine_map<(d0, d1) -> (0, 0)>
module attributes {stable_mosaic.version = 14 : i64} {
  func.func @emb(%arg0: i32, %arg1: i32, %arg2: memref<32x512xi32, #tpu.memory_space<hbm>>, %arg3: memref<32x1000000xf32, #tpu.memory_space<hbm>>, %arg4: memref<32x16384xf32, #tpu.memory_space<hbm>>, %arg5: memref<512xi32, #tpu.memory_space<vmem>>, %arg6: memref<16x32x128xf32, #tpu.memory_space<vmem>>, %arg7: memref<32x128xf32, #tpu.memory_space<vmem>>, %arg8: memref<!tpu.dma_semaphore, #tpu.memory_space<semaphore_mem>>) attributes {dimension_semantics = [#tpu.dimension_semantics<core_parallel>, #tpu.dimension_semantics<subcore_parallel>], iteration_bounds = array<i64: 2, 16>, scalar_prefetch = 0 : i64, scratch_operands = 4 : i64, tpu.core_type = #tpu.core_type<sc_vector_subcore>, window_params = [{transform_indices = #map}, {transform_indices = #map}, {transform_indices = #map}]} {
    %mul3A = arith.constant 2 : i32
    %mul3A_0 = arith.muli %arg1, %mul3A : i32
    %add3A = arith.addi %mul3A_0, %arg0 : i32
    %mul3A_1 = arith.constant 512 : i32
    %mul3A_2 = arith.muli %add3A, %mul3A_1 : i32
    "tpu.region"() ({
      %run_scoped3A = tpu.sem_alloc : memref<!tpu.dma_semaphore, #tpu.memory_space<semaphore_mem>>
      %dma_start3A = arith.constant 0 : i32
      %dma_start3A_14 = tpu.memref_slice %arg2[%add3A, %dma_start3A] : memref<32x512xi32, #tpu.memory_space<hbm>> -> memref<1x512xi32, #tpu.memory_space<hbm>>
      %dma_start3A_15 = tpu.memref_squeeze %dma_start3A_14 : memref<1x512xi32, #tpu.memory_space<hbm>> -> memref<512xi32, #tpu.memory_space<hbm>>
      %dma_start3A_16 = arith.constant 0 : i32
      %dma_start3A_17 = tpu.memref_slice %arg2[%add3A, %dma_start3A_16] : memref<32x512xi32, #tpu.memory_space<hbm>> -> memref<1x512xi32, #tpu.memory_space<hbm>>
      %dma_start3A_18 = tpu.memref_squeeze %dma_start3A_17 : memref<1x512xi32, #tpu.memory_space<hbm>> -> memref<512xi32, #tpu.memory_space<hbm>>
      tpu.enqueue_dma source(%dma_start3A_18 : memref<512xi32, #tpu.memory_space<hbm>>) target(%arg5 : memref<512xi32, #tpu.memory_space<vmem>>) target_semaphore(%run_scoped3A : memref<!tpu.dma_semaphore, #tpu.memory_space<semaphore_mem>>)
      %dma_wait3A = arith.constant 0 : i32
      %dma_wait3A_19 = tpu.memref_slice %arg2[%add3A, %dma_wait3A] : memref<32x512xi32, #tpu.memory_space<hbm>> -> memref<1x512xi32, #tpu.memory_space<hbm>>
      %dma_wait3A_20 = tpu.memref_squeeze %dma_wait3A_19 : memref<1x512xi32, #tpu.memory_space<hbm>> -> memref<512xi32, #tpu.memory_space<hbm>>
      %dma_wait3A_21 = arith.constant 0 : i32
      %dma_wait3A_22 = tpu.memref_slice %arg2[%add3A, %dma_wait3A_21] : memref<32x512xi32, #tpu.memory_space<hbm>> -> memref<1x512xi32, #tpu.memory_space<hbm>>
      %dma_wait3A_23 = tpu.memref_squeeze %dma_wait3A_22 : memref<1x512xi32, #tpu.memory_space<hbm>> -> memref<512xi32, #tpu.memory_space<hbm>>
      tpu.wait_dma2 semaphore(%run_scoped3A : memref<!tpu.dma_semaphore, #tpu.memory_space<semaphore_mem>>) src(%dma_wait3A_23 : memref<512xi32, #tpu.memory_space<hbm>>) dst(%arg5 : memref<512xi32, #tpu.memory_space<vmem>>)
      tpu.yield
    }) : () -> ()
    %iota3A = tpu.iota {dimensions = array<i32: 0>} : vector<16xi32>
    %add3A_3 = arith.constant 0 : i32
    %add3A_4 = vector.broadcast %add3A_3 : i32 to vector<16xi32>
    %add3A_5 = arith.addi %iota3A, %add3A_4 : vector<16xi32>
    %iota3A_6 = tpu.iota {dimensions = array<i32: 0>} : vector<16xi32>
    %add3A_7 = arith.constant 16 : i32
    %add3A_8 = vector.broadcast %add3A_7 : i32 to vector<16xi32>
    %add3A_9 = arith.addi %iota3A_6, %add3A_8 : vector<16xi32>
    %scan3A = arith.constant 0 : i32
    %scan3A_10 = arith.constant 32 : i32
    %scan3A_11 = arith.addi %scan3A, %scan3A_10 : i32
    %scan3A_12 = arith.constant 1 : i32
    scf.for %scan3A_14 = %scan3A to %scan3A_11 step %scan3A_12  : i32 {
      %mul3A_15 = arith.constant 1 : i32
      %mul3A_16 = arith.muli %scan3A_14, %mul3A_15 : i32
      %add3A_17 = arith.constant 0 : i32
      %add3A_18 = arith.addi %add3A_17, %mul3A_16 : i32
      %mul3A_19 = arith.constant 16 : i32
      %mul3A_20 = arith.muli %add3A_18, %mul3A_19 : i32
      %get3A = arith.index_cast %mul3A_20 : i32 to index
      %get3A_21 = tpu.vector_load %arg5[%get3A] {strides = array<i32>} : memref<512xi32, #tpu.memory_space<vmem>>, vector<16xi32>,
      %slice3A = vector.extract_strided_slice %get3A_21 {offsets = [0], sizes = [1], strides = [1]} : vector<16xi32> to vector<1xi32>
      %squeeze3A = vector.extract %slice3A[0] : i32 from vector<1xi32>
      %shift_right_arithmetic3A = arith.constant 7 : i32
      %shift_right_arithmetic3A_22 = arith.shrsi %squeeze3A, %shift_right_arithmetic3A : i32
      %shift_left3A = arith.constant 7 : i32
      %shift_left3A_23 = arith.shli %shift_right_arithmetic3A_22, %shift_left3A : i32
      %multiple_of3A = tpu.assume_multiple %shift_left3A_23, 128 : i32
      %dma_start3A = arith.constant 0 : i32
      %dma_start3A_24 = arith.constant 0 : i32
      %dma_start3A_25 = arith.constant 0 : i32
      %dma_start3A_26 = tpu.memref_slice %arg6[%dma_start3A, %dma_start3A_24, %dma_start3A_25] : memref<16x32x128xf32, #tpu.memory_space<vmem>> -> memref<1x32x128xf32, #tpu.memory_space<vmem>>
      %dma_start3A_27 = tpu.memref_squeeze %dma_start3A_26 : memref<1x32x128xf32, #tpu.memory_space<vmem>> -> memref<32x128xf32, #tpu.memory_space<vmem>>
      %dma_start3A_28 = arith.constant 0 : i32
      %dma_start3A_29 = tpu.memref_slice %arg3[%dma_start3A_28, %multiple_of3A] : memref<32x1000000xf32, #tpu.memory_space<hbm>> -> memref<32x128xf32, #tpu.memory_space<hbm>>
      %dma_start3A_30 = arith.constant 0 : i32
      %dma_start3A_31 = arith.constant 0 : i32
      %dma_start3A_32 = tpu.memref_slice %arg6[%dma_start3A, %dma_start3A_30, %dma_start3A_31] : memref<16x32x128xf32, #tpu.memory_space<vmem>> -> memref<1x32x128xf32, #tpu.memory_space<vmem>>
      %dma_start3A_33 = tpu.memref_squeeze %dma_start3A_32 : memref<1x32x128xf32, #tpu.memory_space<vmem>> -> memref<32x128xf32, #tpu.memory_space<vmem>>
      %dma_start3A_34 = arith.constant 0 : i32
      %dma_start3A_35 = tpu.memref_slice %arg3[%dma_start3A_34, %multiple_of3A] : memref<32x1000000xf32, #tpu.memory_space<hbm>> -> memref<32x128xf32, #tpu.memory_space<hbm>>
      tpu.enqueue_dma source(%dma_start3A_35 : memref<32x128xf32, #tpu.memory_space<hbm>>) target(%dma_start3A_33 : memref<32x128xf32, #tpu.memory_space<vmem>>) target_semaphore(%arg8 : memref<!tpu.dma_semaphore, #tpu.memory_space<semaphore_mem>>)
      %slice3A_36 = vector.extract_strided_slice %get3A_21 {offsets = [1], sizes = [1], strides = [1]} : vector<16xi32> to vector<1xi32>
      %squeeze3A_37 = vector.extract %slice3A_36[0] : i32 from vector<1xi32>
      %shift_right_arithmetic3A_38 = arith.constant 7 : i32
      %shift_right_arithmetic3A_39 = arith.shrsi %squeeze3A_37, %shift_right_arithmetic3A_38 : i32
      %shift_left3A_40 = arith.constant 7 : i32
      %shift_left3A_41 = arith.shli %shift_right_arithmetic3A_39, %shift_left3A_40 : i32
      %multiple_of3A_42 = tpu.assume_multiple %shift_left3A_41, 128 : i32
      %dma_start3A_43 = arith.constant 1 : i32
      %dma_start3A_44 = arith.constant 0 : i32
      %dma_start3A_45 = arith.constant 0 : i32
      %dma_start3A_46 = tpu.memref_slice %arg6[%dma_start3A_43, %dma_start3A_44, %dma_start3A_45] : memref<16x32x128xf32, #tpu.memory_space<vmem>> -> memref<1x32x128xf32, #tpu.memory_space<vmem>>
      %dma_start3A_47 = tpu.memref_squeeze %dma_start3A_46 : memref<1x32x128xf32, #tpu.memory_space<vmem>> -> memref<32x128xf32, #tpu.memory_space<vmem>>
      %dma_start3A_48 = arith.constant 0 : i32
      %dma_start3A_49 = tpu.memref_slice %arg3[%dma_start3A_48, %multiple_of3A_42] : memref<32x1000000xf32, #tpu.memory_space<hbm>> -> memref<32x128xf32, #tpu.memory_space<hbm>>
      %dma_start3A_50 = arith.constant 0 : i32
      %dma_start3A_51 = arith.constant 0 : i32
      %dma_start3A_52 = tpu.memref_slice %arg6[%dma_start3A_43, %dma_start3A_50, %dma_start3A_51] : memref<16x32x128xf32, #tpu.memory_space<vmem>> -> memref<1x32x128xf32, #tpu.memory_space<vmem>>
      %dma_start3A_53 = tpu.memref_squeeze %dma_start3A_52 : memref<1x32x128xf32, #tpu.memory_space<vmem>> -> memref<32x128xf32, #tpu.memory_space<vmem>>
      %dma_start3A_54 = arith.constant 0 : i32
      %dma_start3A_55 = tpu.memref_slice %arg3[%dma_start3A_54, %multiple_of3A_42] : memref<32x1000000xf32, #tpu.memory_space<hbm>> -> memref<32x128xf32, #tpu.memory_space<hbm>>
      tpu.enqueue_dma source(%dma_start3A_55 : memref<32x128xf32, #tpu.memory_space<hbm>>) target(%dma_start3A_53 : memref<32x128xf32, #tpu.memory_space<vmem>>) target_semaphore(%arg8 : memref<!tpu.dma_semaphore, #tpu.memory_space<semaphore_mem>>)
      %slice3A_56 = vector.extract_strided_slice %get3A_21 {offsets = [2], sizes = [1], strides = [1]} : vector<16xi32> to vector<1xi32>
      %squeeze3A_57 = vector.extract %slice3A_56[0] : i32 from vector<1xi32>
      %shift_right_arithmetic3A_58 = arith.constant 7 : i32
      %shift_right_arithmetic3A_59 = arith.shrsi %squeeze3A_57, %shift_right_arithmetic3A_58 : i32
      %shift_left3A_60 = arith.constant 7 : i32
      %shift_left3A_61 = arith.shli %shift_right_arithmetic3A_59, %shift_left3A_60 : i32
      %multiple_of3A_62 = tpu.assume_multiple %shift_left3A_61, 128 : i32
      %dma_start3A_63 = arith.constant 2 : i32
      %dma_start3A_64 = arith.constant 0 : i32
      %dma_start3A_65 = arith.constant 0 : i32
      %dma_start3A_66 = tpu.memref_slice %arg6[%dma_start3A_63, %dma_start3A_64, %dma_start3A_65] : memref<16x32x128xf32, #tpu.memory_space<vmem>> -> memref<1x32x128xf32, #tpu.memory_space<vmem>>
      %dma_start3A_67 = tpu.memref_squeeze %dma_start3A_66 : memref<1x32x128xf32, #tpu.memory_space<vmem>> -> memref<32x128xf32, #tpu.memory_space<vmem>>
      %dma_start3A_68 = arith.constant 0 : i32
      %dma_start3A_69 = tpu.memref_slice %arg3[%dma_start3A_68, %multiple_of3A_62] : memref<32x1000000xf32, #tpu.memory_space<hbm>> -> memref<32x128xf32, #tpu.memory_space<hbm>>
      %dma_start3A_70 = arith.constant 0 : i32
      %dma_start3A_71 = arith.constant 0 : i32
      %dma_start3A_72 = tpu.memref_slice %arg6[%dma_start3A_63, %dma_start3A_70, %dma_start3A_71] : memref<16x32x128xf32, #tpu.memory_space<vmem>> -> memref<1x32x128xf32, #tpu.memory_space<vmem>>
      %dma_start3A_73 = tpu.memref_squeeze %dma_start3A_72 : memref<1x32x128xf32, #tpu.memory_space<vmem>> -> memref<32x128xf32, #tpu.memory_space<vmem>>
      %dma_start3A_74 = arith.constant 0 : i32
      %dma_start3A_75 = tpu.memref_slice %arg3[%dma_start3A_74, %multiple_of3A_62] : memref<32x1000000xf32, #tpu.memory_space<hbm>> -> memref<32x128xf32, #tpu.memory_space<hbm>>
      tpu.enqueue_dma source(%dma_start3A_75 : memref<32x128xf32, #tpu.memory_space<hbm>>) target(%dma_start3A_73 : memref<32x128xf32, #tpu.memory_space<vmem>>) target_semaphore(%arg8 : memref<!tpu.dma_semaphore, #tpu.memory_space<semaphore_mem>>)
      %slice3A_76 = vector.extract_strided_slice %get3A_21 {offsets = [3], sizes = [1], strides = [1]} : vector<16xi32> to vector<1xi32>
      %squeeze3A_77 = vector.extract %slice3A_76[0] : i32 from vector<1xi32>
      %shift_right_arithmetic3A_78 = arith.constant 7 : i32
      %shift_right_arithmetic3A_79 = arith.shrsi %squeeze3A_77, %shift_right_arithmetic3A_78 : i32
      %shift_left3A_80 = arith.constant 7 : i32
      %shift_left3A_81 = arith.shli %shift_right_arithmetic3A_79, %shift_left3A_80 : i32
      %multiple_of3A_82 = tpu.assume_multiple %shift_left3A_81, 128 : i32
      %dma_start3A_83 = arith.constant 3 : i32
      %dma_start3A_84 = arith.constant 0 : i32
      %dma_start3A_85 = arith.constant 0 : i32
      %dma_start3A_86 = tpu.memref_slice %arg6[%dma_start3A_83, %dma_start3A_84, %dma_start3A_85] : memref<16x32x128xf32, #tpu.memory_space<vmem>> -> memref<1x32x128xf32, #tpu.memory_space<vmem>>
      %dma_start3A_87 = tpu.memref_squeeze %dma_start3A_86 : memref<1x32x128xf32, #tpu.memory_space<vmem>> -> memref<32x128xf32, #tpu.memory_space<vmem>>
      %dma_start3A_88 = arith.constant 0 : i32
      %dma_start3A_89 = tpu.memref_slice %arg3[%dma_start3A_88, %multiple_of3A_82] : memref<32x1000000xf32, #tpu.memory_space<hbm>> -> memref<32x128xf32, #tpu.memory_space<hbm>>
      %dma_start3A_90 = arith.constant 0 : i32
      %dma_start3A_91 = arith.constant 0 : i32
      %dma_start3A_92 = tpu.memref_slice %arg6[%dma_start3A_83, %dma_start3A_90, %dma_start3A_91] : memref<16x32x128xf32, #tpu.memory_space<vmem>> -> memref<1x32x128xf32, #tpu.memory_space<vmem>>
      %dma_start3A_93 = tpu.memref_squeeze %dma_start3A_92 : memref<1x32x128xf32, #tpu.memory_space<vmem>> -> memref<32x128xf32, #tpu.memory_space<vmem>>
      %dma_start3A_94 = arith.constant 0 : i32
      %dma_start3A_95 = tpu.memref_slice %arg3[%dma_start3A_94, %multiple_of3A_82] : memref<32x1000000xf32, #tpu.memory_space<hbm>> -> memref<32x128xf32, #tpu.memory_space<hbm>>
      tpu.enqueue_dma source(%dma_start3A_95 : memref<32x128xf32, #tpu.memory_space<hbm>>) target(%dma_start3A_93 : memref<32x128xf32, #tpu.memory_space<vmem>>) target_semaphore(%arg8 : memref<!tpu.dma_semaphore, #tpu.memory_space<semaphore_mem>>)
      %slice3A_96 = vector.extract_strided_slice %get3A_21 {offsets = [4], sizes = [1], strides = [1]} : vector<16xi32> to vector<1xi32>
      %squeeze3A_97 = vector.extract %slice3A_96[0] : i32 from vector<1xi32>
      %shift_right_arithmetic3A_98 = arith.constant 7 : i32
      %shift_right_arithmetic3A_99 = arith.shrsi %squeeze3A_97, %shift_right_arithmetic3A_98 : i32
      %shift_left3A_100 = arith.constant 7 : i32
      %shift_left3A_101 = arith.shli %shift_right_arithmetic3A_99, %shift_left3A_100 : i32
      %multiple_of3A_102 = tpu.assume_multiple %shift_left3A_101, 128 : i32
      %dma_start3A_103 = arith.constant 4 : i32
      %dma_start3A_104 = arith.constant 0 : i32
      %dma_start3A_105 = arith.constant 0 : i32
      %dma_start3A_106 = tpu.memref_slice %arg6[%dma_start3A_103, %dma_start3A_104, %dma_start3A_105] : memref<16x32x128xf32, #tpu.memory_space<vmem>> -> memref<1x32x128xf32, #tpu.memory_space<vmem>>
      %dma_start3A_107 = tpu.memref_squeeze %dma_start3A_106 : memref<1x32x128xf32, #tpu.memory_space<vmem>> -> memref<32x128xf32, #tpu.memory_space<vmem>>
      %dma_start3A_108 = arith.constant 0 : i32
      %dma_start3A_109 = tpu.memref_slice %arg3[%dma_start3A_108, %multiple_of3A_102] : memref<32x1000000xf32, #tpu.memory_space<hbm>> -> memref<32x128xf32, #tpu.memory_space<hbm>>
      %dma_start3A_110 = arith.constant 0 : i32
      %dma_start3A_111 = arith.constant 0 : i32
      %dma_start3A_112 = tpu.memref_slice %arg6[%dma_start3A_103, %dma_start3A_110, %dma_start3A_111] : memref<16x32x128xf32, #tpu.memory_space<vmem>> -> memref<1x32x128xf32, #tpu.memory_space<vmem>>
      %dma_start3A_113 = tpu.memref_squeeze %dma_start3A_112 : memref<1x32x128xf32, #tpu.memory_space<vmem>> -> memref<32x128xf32, #tpu.memory_space<vmem>>
      %dma_start3A_114 = arith.constant 0 : i32
      %dma_start3A_115 = tpu.memref_slice %arg3[%dma_start3A_114, %multiple_of3A_102] : memref<32x1000000xf32, #tpu.memory_space<hbm>> -> memref<32x128xf32, #tpu.memory_space<hbm>>
      tpu.enqueue_dma source(%dma_start3A_115 : memref<32x128xf32, #tpu.memory_space<hbm>>) target(%dma_start3A_113 : memref<32x128xf32, #tpu.memory_space<vmem>>) target_semaphore(%arg8 : memref<!tpu.dma_semaphore, #tpu.memory_space<semaphore_mem>>)
      %slice3A_116 = vector.extract_strided_slice %get3A_21 {offsets = [5], sizes = [1], strides = [1]} : vector<16xi32> to vector<1xi32>
      %squeeze3A_117 = vector.extract %slice3A_116[0] : i32 from vector<1xi32>
      %shift_right_arithmetic3A_118 = arith.constant 7 : i32
      %shift_right_arithmetic3A_119 = arith.shrsi %squeeze3A_117, %shift_right_arithmetic3A_118 : i32
      %shift_left3A_120 = arith.constant 7 : i32
      %shift_left3A_121 = arith.shli %shift_right_arithmetic3A_119, %shift_left3A_120 : i32
      %multiple_of3A_122 = tpu.assume_multiple %shift_left3A_121, 128 : i32
      %dma_start3A_123 = arith.constant 5 : i32
      %dma_start3A_124 = arith.constant 0 : i32
      %dma_start3A_125 = arith.constant 0 : i32
      %dma_start3A_126 = tpu.memref_slice %arg6[%dma_start3A_123, %dma_start3A_124, %dma_start3A_125] : memref<16x32x128xf32, #tpu.memory_space<vmem>> -> memref<1x32x128xf32, #tpu.memory_space<vmem>>
      %dma_start3A_127 = tpu.memref_squeeze %dma_start3A_126 : memref<1x32x128xf32, #tpu.memory_space<vmem>> -> memref<32x128xf32, #tpu.memory_space<vmem>>
      %dma_start3A_128 = arith.constant 0 : i32
      %dma_start3A_129 = tpu.memref_slice %arg3[%dma_start3A_128, %multiple_of3A_122] : memref<32x1000000xf32, #tpu.memory_space<hbm>> -> memref<32x128xf32, #tpu.memory_space<hbm>>
      %dma_start3A_130 = arith.constant 0 : i32
      %dma_start3A_131 = arith.constant 0 : i32
      %dma_start3A_132 = tpu.memref_slice %arg6[%dma_start3A_123, %dma_start3A_130, %dma_start3A_131] : memref<16x32x128xf32, #tpu.memory_space<vmem>> -> memref<1x32x128xf32, #tpu.memory_space<vmem>>
      %dma_start3A_133 = tpu.memref_squeeze %dma_start3A_132 : memref<1x32x128xf32, #tpu.memory_space<vmem>> -> memref<32x128xf32, #tpu.memory_space<vmem>>
      %dma_start3A_134 = arith.constant 0 : i32
      %dma_start3A_135 = tpu.memref_slice %arg3[%dma_start3A_134, %multiple_of3A_122] : memref<32x1000000xf32, #tpu.memory_space<hbm>> -> memref<32x128xf32, #tpu.memory_space<hbm>>
      tpu.enqueue_dma source(%dma_start3A_135 : memref<32x128xf32, #tpu.memory_space<hbm>>) target(%dma_start3A_133 : memref<32x128xf32, #tpu.memory_space<vmem>>) target_semaphore(%arg8 : memref<!tpu.dma_semaphore, #tpu.memory_space<semaphore_mem>>)
      %slice3A_136 = vector.extract_strided_slice %get3A_21 {offsets = [6], sizes = [1], strides = [1]} : vector<16xi32> to vector<1xi32>
      %squeeze3A_137 = vector.extract %slice3A_136[0] : i32 from vector<1xi32>
      %shift_right_arithmetic3A_138 = arith.constant 7 : i32
      %shift_right_arithmetic3A_139 = arith.shrsi %squeeze3A_137, %shift_right_arithmetic3A_138 : i32
      %shift_left3A_140 = arith.constant 7 : i32
      %shift_left3A_141 = arith.shli %shift_right_arithmetic3A_139, %shift_left3A_140 : i32
      %multiple_of3A_142 = tpu.assume_multiple %shift_left3A_141, 128 : i32
      %dma_start3A_143 = arith.constant 6 : i32
      %dma_start3A_144 = arith.constant 0 : i32
      %dma_start3A_145 = arith.constant 0 : i32
      %dma_start3A_146 = tpu.memref_slice %arg6[%dma_start3A_143, %dma_start3A_144, %dma_start3A_145] : memref<16x32x128xf32, #tpu.memory_space<vmem>> -> memref<1x32x128xf32, #tpu.memory_space<vmem>>
      %dma_start3A_147 = tpu.memref_squeeze %dma_start3A_146 : memref<1x32x128xf32, #tpu.memory_space<vmem>> -> memref<32x128xf32, #tpu.memory_space<vmem>>
      %dma_start3A_148 = arith.constant 0 : i32
      %dma_start3A_149 = tpu.memref_slice %arg3[%dma_start3A_148, %multiple_of3A_142] : memref<32x1000000xf32, #tpu.memory_space<hbm>> -> memref<32x128xf32, #tpu.memory_space<hbm>>
      %dma_start3A_150 = arith.constant 0 : i32
      %dma_start3A_151 = arith.constant 0 : i32
      %dma_start3A_152 = tpu.memref_slice %arg6[%dma_start3A_143, %dma_start3A_150, %dma_start3A_151] : memref<16x32x128xf32, #tpu.memory_space<vmem>> -> memref<1x32x128xf32, #tpu.memory_space<vmem>>
      %dma_start3A_153 = tpu.memref_squeeze %dma_start3A_152 : memref<1x32x128xf32, #tpu.memory_space<vmem>> -> memref<32x128xf32, #tpu.memory_space<vmem>>
      %dma_start3A_154 = arith.constant 0 : i32
      %dma_start3A_155 = tpu.memref_slice %arg3[%dma_start3A_154, %multiple_of3A_142] : memref<32x1000000xf32, #tpu.memory_space<hbm>> -> memref<32x128xf32, #tpu.memory_space<hbm>>
      tpu.enqueue_dma source(%dma_start3A_155 : memref<32x128xf32, #tpu.memory_space<hbm>>) target(%dma_start3A_153 : memref<32x128xf32, #tpu.memory_space<vmem>>) target_semaphore(%arg8 : memref<!tpu.dma_semaphore, #tpu.memory_space<semaphore_mem>>)
      %slice3A_156 = vector.extract_strided_slice %get3A_21 {offsets = [7], sizes = [1], strides = [1]} : vector<16xi32> to vector<1xi32>
      %squeeze3A_157 = vector.extract %slice3A_156[0] : i32 from vector<1xi32>
      %shift_right_arithmetic3A_158 = arith.constant 7 : i32
      %shift_right_arithmetic3A_159 = arith.shrsi %squeeze3A_157, %shift_right_arithmetic3A_158 : i32
      %shift_left3A_160 = arith.constant 7 : i32
      %shift_left3A_161 = arith.shli %shift_right_arithmetic3A_159, %shift_left3A_160 : i32
      %multiple_of3A_162 = tpu.assume_multiple %shift_left3A_161, 128 : i32
      %dma_start3A_163 = arith.constant 7 : i32
      %dma_start3A_164 = arith.constant 0 : i32
      %dma_start3A_165 = arith.constant 0 : i32
      %dma_start3A_166 = tpu.memref_slice %arg6[%dma_start3A_163, %dma_start3A_164, %dma_start3A_165] : memref<16x32x128xf32, #tpu.memory_space<vmem>> -> memref<1x32x128xf32, #tpu.memory_space<vmem>>
      %dma_start3A_167 = tpu.memref_squeeze %dma_start3A_166 : memref<1x32x128xf32, #tpu.memory_space<vmem>> -> memref<32x128xf32, #tpu.memory_space<vmem>>
      %dma_start3A_168 = arith.constant 0 : i32
      %dma_start3A_169 = tpu.memref_slice %arg3[%dma_start3A_168, %multiple_of3A_162] : memref<32x1000000xf32, #tpu.memory_space<hbm>> -> memref<32x128xf32, #tpu.memory_space<hbm>>
      %dma_start3A_170 = arith.constant 0 : i32
      %dma_start3A_171 = arith.constant 0 : i32
      %dma_start3A_172 = tpu.memref_slice %arg6[%dma_start3A_163, %dma_start3A_170, %dma_start3A_171] : memref<16x32x128xf32, #tpu.memory_space<vmem>> -> memref<1x32x128xf32, #tpu.memory_space<vmem>>
      %dma_start3A_173 = tpu.memref_squeeze %dma_start3A_172 : memref<1x32x128xf32, #tpu.memory_space<vmem>> -> memref<32x128xf32, #tpu.memory_space<vmem>>
      %dma_start3A_174 = arith.constant 0 : i32
      %dma_start3A_175 = tpu.memref_slice %arg3[%dma_start3A_174, %multiple_of3A_162] : memref<32x1000000xf32, #tpu.memory_space<hbm>> -> memref<32x128xf32, #tpu.memory_space<hbm>>
      tpu.enqueue_dma source(%dma_start3A_175 : memref<32x128xf32, #tpu.memory_space<hbm>>) target(%dma_start3A_173 : memref<32x128xf32, #tpu.memory_space<vmem>>) target_semaphore(%arg8 : memref<!tpu.dma_semaphore, #tpu.memory_space<semaphore_mem>>)
      %slice3A_176 = vector.extract_strided_slice %get3A_21 {offsets = [8], sizes = [1], strides = [1]} : vector<16xi32> to vector<1xi32>
      %squeeze3A_177 = vector.extract %slice3A_176[0] : i32 from vector<1xi32>
      %shift_right_arithmetic3A_178 = arith.constant 7 : i32
      %shift_right_arithmetic3A_179 = arith.shrsi %squeeze3A_177, %shift_right_arithmetic3A_178 : i32
      %shift_left3A_180 = arith.constant 7 : i32
      %shift_left3A_181 = arith.shli %shift_right_arithmetic3A_179, %shift_left3A_180 : i32
      %multiple_of3A_182 = tpu.assume_multiple %shift_left3A_181, 128 : i32
      %dma_start3A_183 = arith.constant 8 : i32
      %dma_start3A_184 = arith.constant 0 : i32
      %dma_start3A_185 = arith.constant 0 : i32
      %dma_start3A_186 = tpu.memref_slice %arg6[%dma_start3A_183, %dma_start3A_184, %dma_start3A_185] : memref<16x32x128xf32, #tpu.memory_space<vmem>> -> memref<1x32x128xf32, #tpu.memory_space<vmem>>
      %dma_start3A_187 = tpu.memref_squeeze %dma_start3A_186 : memref<1x32x128xf32, #tpu.memory_space<vmem>> -> memref<32x128xf32, #tpu.memory_space<vmem>>
      %dma_start3A_188 = arith.constant 0 : i32
      %dma_start3A_189 = tpu.memref_slice %arg3[%dma_start3A_188, %multiple_of3A_182] : memref<32x1000000xf32, #tpu.memory_space<hbm>> -> memref<32x128xf32, #tpu.memory_space<hbm>>
      %dma_start3A_190 = arith.constant 0 : i32
      %dma_start3A_191 = arith.constant 0 : i32
      %dma_start3A_192 = tpu.memref_slice %arg6[%dma_start3A_183, %dma_start3A_190, %dma_start3A_191] : memref<16x32x128xf32, #tpu.memory_space<vmem>> -> memref<1x32x128xf32, #tpu.memory_space<vmem>>
      %dma_start3A_193 = tpu.memref_squeeze %dma_start3A_192 : memref<1x32x128xf32, #tpu.memory_space<vmem>> -> memref<32x128xf32, #tpu.memory_space<vmem>>
      %dma_start3A_194 = arith.constant 0 : i32
      %dma_start3A_195 = tpu.memref_slice %arg3[%dma_start3A_194, %multiple_of3A_182] : memref<32x1000000xf32, #tpu.memory_space<hbm>> -> memref<32x128xf32, #tpu.memory_space<hbm>>
      tpu.enqueue_dma source(%dma_start3A_195 : memref<32x128xf32, #tpu.memory_space<hbm>>) target(%dma_start3A_193 : memref<32x128xf32, #tpu.memory_space<vmem>>) target_semaphore(%arg8 : memref<!tpu.dma_semaphore, #tpu.memory_space<semaphore_mem>>)
      %slice3A_196 = vector.extract_strided_slice %get3A_21 {offsets = [9], sizes = [1], strides = [1]} : vector<16xi32> to vector<1xi32>
      %squeeze3A_197 = vector.extract %slice3A_196[0] : i32 from vector<1xi32>
      %shift_right_arithmetic3A_198 = arith.constant 7 : i32
      %shift_right_arithmetic3A_199 = arith.shrsi %squeeze3A_197, %shift_right_arithmetic3A_198 : i32
      %shift_left3A_200 = arith.constant 7 : i32
      %shift_left3A_201 = arith.shli %shift_right_arithmetic3A_199, %shift_left3A_200 : i32
      %multiple_of3A_202 = tpu.assume_multiple %shift_left3A_201, 128 : i32
      %dma_start3A_203 = arith.constant 9 : i32
      %dma_start3A_204 = arith.constant 0 : i32
      %dma_start3A_205 = arith.constant 0 : i32
      %dma_start3A_206 = tpu.memref_slice %arg6[%dma_start3A_203, %dma_start3A_204, %dma_start3A_205] : memref<16x32x128xf32, #tpu.memory_space<vmem>> -> memref<1x32x128xf32, #tpu.memory_space<vmem>>
      %dma_start3A_207 = tpu.memref_squeeze %dma_start3A_206 : memref<1x32x128xf32, #tpu.memory_space<vmem>> -> memref<32x128xf32, #tpu.memory_space<vmem>>
      %dma_start3A_208 = arith.constant 0 : i32
      %dma_start3A_209 = tpu.memref_slice %arg3[%dma_start3A_208, %multiple_of3A_202] : memref<32x1000000xf32, #tpu.memory_space<hbm>> -> memref<32x128xf32, #tpu.memory_space<hbm>>
      %dma_start3A_210 = arith.constant 0 : i32
      %dma_start3A_211 = arith.constant 0 : i32
      %dma_start3A_212 = tpu.memref_slice %arg6[%dma_start3A_203, %dma_start3A_210, %dma_start3A_211] : memref<16x32x128xf32, #tpu.memory_space<vmem>> -> memref<1x32x128xf32, #tpu.memory_space<vmem>>
      %dma_start3A_213 = tpu.memref_squeeze %dma_start3A_212 : memref<1x32x128xf32, #tpu.memory_space<vmem>> -> memref<32x128xf32, #tpu.memory_space<vmem>>
      %dma_start3A_214 = arith.constant 0 : i32
      %dma_start3A_215 = tpu.memref_slice %arg3[%dma_start3A_214, %multiple_of3A_202] : memref<32x1000000xf32, #tpu.memory_space<hbm>> -> memref<32x128xf32, #tpu.memory_space<hbm>>
      tpu.enqueue_dma source(%dma_start3A_215 : memref<32x128xf32, #tpu.memory_space<hbm>>) target(%dma_start3A_213 : memref<32x128xf32, #tpu.memory_space<vmem>>) target_semaphore(%arg8 : memref<!tpu.dma_semaphore, #tpu.memory_space<semaphore_mem>>)
      %slice3A_216 = vector.extract_strided_slice %get3A_21 {offsets = [10], sizes = [1], strides = [1]} : vector<16xi32> to vector<1xi32>
      %squeeze3A_217 = vector.extract %slice3A_216[0] : i32 from vector<1xi32>
      %shift_right_arithmetic3A_218 = arith.constant 7 : i32
      %shift_right_arithmetic3A_219 = arith.shrsi %squeeze3A_217, %shift_right_arithmetic3A_218 : i32
      %shift_left3A_220 = arith.constant 7 : i32
      %shift_left3A_221 = arith.shli %shift_right_arithmetic3A_219, %shift_left3A_220 : i32
      %multiple_of3A_222 = tpu.assume_multiple %shift_left3A_221, 128 : i32
      %dma_start3A_223 = arith.constant 10 : i32
      %dma_start3A_224 = arith.constant 0 : i32
      %dma_start3A_225 = arith.constant 0 : i32
      %dma_start3A_226 = tpu.memref_slice %arg6[%dma_start3A_223, %dma_start3A_224, %dma_start3A_225] : memref<16x32x128xf32, #tpu.memory_space<vmem>> -> memref<1x32x128xf32, #tpu.memory_space<vmem>>
      %dma_start3A_227 = tpu.memref_squeeze %dma_start3A_226 : memref<1x32x128xf32, #tpu.memory_space<vmem>> -> memref<32x128xf32, #tpu.memory_space<vmem>>
      %dma_start3A_228 = arith.constant 0 : i32
      %dma_start3A_229 = tpu.memref_slice %arg3[%dma_start3A_228, %multiple_of3A_222] : memref<32x1000000xf32, #tpu.memory_space<hbm>> -> memref<32x128xf32, #tpu.memory_space<hbm>>
      %dma_start3A_230 = arith.constant 0 : i32
      %dma_start3A_231 = arith.constant 0 : i32
      %dma_start3A_232 = tpu.memref_slice %arg6[%dma_start3A_223, %dma_start3A_230, %dma_start3A_231] : memref<16x32x128xf32, #tpu.memory_space<vmem>> -> memref<1x32x128xf32, #tpu.memory_space<vmem>>
      %dma_start3A_233 = tpu.memref_squeeze %dma_start3A_232 : memref<1x32x128xf32, #tpu.memory_space<vmem>> -> memref<32x128xf32, #tpu.memory_space<vmem>>
      %dma_start3A_234 = arith.constant 0 : i32
      %dma_start3A_235 = tpu.memref_slice %arg3[%dma_start3A_234, %multiple_of3A_222] : memref<32x1000000xf32, #tpu.memory_space<hbm>> -> memref<32x128xf32, #tpu.memory_space<hbm>>
      tpu.enqueue_dma source(%dma_start3A_235 : memref<32x128xf32, #tpu.memory_space<hbm>>) target(%dma_start3A_233 : memref<32x128xf32, #tpu.memory_space<vmem>>) target_semaphore(%arg8 : memref<!tpu.dma_semaphore, #tpu.memory_space<semaphore_mem>>)
      %slice3A_236 = vector.extract_strided_slice %get3A_21 {offsets = [11], sizes = [1], strides = [1]} : vector<16xi32> to vector<1xi32>
      %squeeze3A_237 = vector.extract %slice3A_236[0] : i32 from vector<1xi32>
      %shift_right_arithmetic3A_238 = arith.constant 7 : i32
      %shift_right_arithmetic3A_239 = arith.shrsi %squeeze3A_237, %shift_right_arithmetic3A_238 : i32
      %shift_left3A_240 = arith.constant 7 : i32
      %shift_left3A_241 = arith.shli %shift_right_arithmetic3A_239, %shift_left3A_240 : i32
      %multiple_of3A_242 = tpu.assume_multiple %shift_left3A_241, 128 : i32
      %dma_start3A_243 = arith.constant 11 : i32
      %dma_start3A_244 = arith.constant 0 : i32
      %dma_start3A_245 = arith.constant 0 : i32
      %dma_start3A_246 = tpu.memref_slice %arg6[%dma_start3A_243, %dma_start3A_244, %dma_start3A_245] : memref<16x32x128xf32, #tpu.memory_space<vmem>> -> memref<1x32x128xf32, #tpu.memory_space<vmem>>
      %dma_start3A_247 = tpu.memref_squeeze %dma_start3A_246 : memref<1x32x128xf32, #tpu.memory_space<vmem>> -> memref<32x128xf32, #tpu.memory_space<vmem>>
      %dma_start3A_248 = arith.constant 0 : i32
      %dma_start3A_249 = tpu.memref_slice %arg3[%dma_start3A_248, %multiple_of3A_242] : memref<32x1000000xf32, #tpu.memory_space<hbm>> -> memref<32x128xf32, #tpu.memory_space<hbm>>
      %dma_start3A_250 = arith.constant 0 : i32
      %dma_start3A_251 = arith.constant 0 : i32
      %dma_start3A_252 = tpu.memref_slice %arg6[%dma_start3A_243, %dma_start3A_250, %dma_start3A_251] : memref<16x32x128xf32, #tpu.memory_space<vmem>> -> memref<1x32x128xf32, #tpu.memory_space<vmem>>
      %dma_start3A_253 = tpu.memref_squeeze %dma_start3A_252 : memref<1x32x128xf32, #tpu.memory_space<vmem>> -> memref<32x128xf32, #tpu.memory_space<vmem>>
      %dma_start3A_254 = arith.constant 0 : i32
      %dma_start3A_255 = tpu.memref_slice %arg3[%dma_start3A_254, %multiple_of3A_242] : memref<32x1000000xf32, #tpu.memory_space<hbm>> -> memref<32x128xf32, #tpu.memory_space<hbm>>
      tpu.enqueue_dma source(%dma_start3A_255 : memref<32x128xf32, #tpu.memory_space<hbm>>) target(%dma_start3A_253 : memref<32x128xf32, #tpu.memory_space<vmem>>) target_semaphore(%arg8 : memref<!tpu.dma_semaphore, #tpu.memory_space<semaphore_mem>>)
      %slice3A_256 = vector.extract_strided_slice %get3A_21 {offsets = [12], sizes = [1], strides = [1]} : vector<16xi32> to vector<1xi32>
      %squeeze3A_257 = vector.extract %slice3A_256[0] : i32 from vector<1xi32>
      %shift_right_arithmetic3A_258 = arith.constant 7 : i32
      %shift_right_arithmetic3A_259 = arith.shrsi %squeeze3A_257, %shift_right_arithmetic3A_258 : i32
      %shift_left3A_260 = arith.constant 7 : i32
      %shift_left3A_261 = arith.shli %shift_right_arithmetic3A_259, %shift_left3A_260 : i32
      %multiple_of3A_262 = tpu.assume_multiple %shift_left3A_261, 128 : i32
      %dma_start3A_263 = arith.constant 12 : i32
      %dma_start3A_264 = arith.constant 0 : i32
      %dma_start3A_265 = arith.constant 0 : i32
      %dma_start3A_266 = tpu.memref_slice %arg6[%dma_start3A_263, %dma_start3A_264, %dma_start3A_265] : memref<16x32x128xf32, #tpu.memory_space<vmem>> -> memref<1x32x128xf32, #tpu.memory_space<vmem>>
      %dma_start3A_267 = tpu.memref_squeeze %dma_start3A_266 : memref<1x32x128xf32, #tpu.memory_space<vmem>> -> memref<32x128xf32, #tpu.memory_space<vmem>>
      %dma_start3A_268 = arith.constant 0 : i32
      %dma_start3A_269 = tpu.memref_slice %arg3[%dma_start3A_268, %multiple_of3A_262] : memref<32x1000000xf32, #tpu.memory_space<hbm>> -> memref<32x128xf32, #tpu.memory_space<hbm>>
      %dma_start3A_270 = arith.constant 0 : i32
      %dma_start3A_271 = arith.constant 0 : i32
      %dma_start3A_272 = tpu.memref_slice %arg6[%dma_start3A_263, %dma_start3A_270, %dma_start3A_271] : memref<16x32x128xf32, #tpu.memory_space<vmem>> -> memref<1x32x128xf32, #tpu.memory_space<vmem>>
      %dma_start3A_273 = tpu.memref_squeeze %dma_start3A_272 : memref<1x32x128xf32, #tpu.memory_space<vmem>> -> memref<32x128xf32, #tpu.memory_space<vmem>>
      %dma_start3A_274 = arith.constant 0 : i32
      %dma_start3A_275 = tpu.memref_slice %arg3[%dma_start3A_274, %multiple_of3A_262] : memref<32x1000000xf32, #tpu.memory_space<hbm>> -> memref<32x128xf32, #tpu.memory_space<hbm>>
      tpu.enqueue_dma source(%dma_start3A_275 : memref<32x128xf32, #tpu.memory_space<hbm>>) target(%dma_start3A_273 : memref<32x128xf32, #tpu.memory_space<vmem>>) target_semaphore(%arg8 : memref<!tpu.dma_semaphore, #tpu.memory_space<semaphore_mem>>)
      %slice3A_276 = vector.extract_strided_slice %get3A_21 {offsets = [13], sizes = [1], strides = [1]} : vector<16xi32> to vector<1xi32>
      %squeeze3A_277 = vector.extract %slice3A_276[0] : i32 from vector<1xi32>
      %shift_right_arithmetic3A_278 = arith.constant 7 : i32
      %shift_right_arithmetic3A_279 = arith.shrsi %squeeze3A_277, %shift_right_arithmetic3A_278 : i32
      %shift_left3A_280 = arith.constant 7 : i32
      %shift_left3A_281 = arith.shli %shift_right_arithmetic3A_279, %shift_left3A_280 : i32
      %multiple_of3A_282 = tpu.assume_multiple %shift_left3A_281, 128 : i32
      %dma_start3A_283 = arith.constant 13 : i32
      %dma_start3A_284 = arith.constant 0 : i32
      %dma_start3A_285 = arith.constant 0 : i32
      %dma_start3A_286 = tpu.memref_slice %arg6[%dma_start3A_283, %dma_start3A_284, %dma_start3A_285] : memref<16x32x128xf32, #tpu.memory_space<vmem>> -> memref<1x32x128xf32, #tpu.memory_space<vmem>>
      %dma_start3A_287 = tpu.memref_squeeze %dma_start3A_286 : memref<1x32x128xf32, #tpu.memory_space<vmem>> -> memref<32x128xf32, #tpu.memory_space<vmem>>
      %dma_start3A_288 = arith.constant 0 : i32
      %dma_start3A_289 = tpu.memref_slice %arg3[%dma_start3A_288, %multiple_of3A_282] : memref<32x1000000xf32, #tpu.memory_space<hbm>> -> memref<32x128xf32, #tpu.memory_space<hbm>>
      %dma_start3A_290 = arith.constant 0 : i32
      %dma_start3A_291 = arith.constant 0 : i32
      %dma_start3A_292 = tpu.memref_slice %arg6[%dma_start3A_283, %dma_start3A_290, %dma_start3A_291] : memref<16x32x128xf32, #tpu.memory_space<vmem>> -> memref<1x32x128xf32, #tpu.memory_space<vmem>>
      %dma_start3A_293 = tpu.memref_squeeze %dma_start3A_292 : memref<1x32x128xf32, #tpu.memory_space<vmem>> -> memref<32x128xf32, #tpu.memory_space<vmem>>
      %dma_start3A_294 = arith.constant 0 : i32
      %dma_start3A_295 = tpu.memref_slice %arg3[%dma_start3A_294, %multiple_of3A_282] : memref<32x1000000xf32, #tpu.memory_space<hbm>> -> memref<32x128xf32, #tpu.memory_space<hbm>>
      tpu.enqueue_dma source(%dma_start3A_295 : memref<32x128xf32, #tpu.memory_space<hbm>>) target(%dma_start3A_293 : memref<32x128xf32, #tpu.memory_space<vmem>>) target_semaphore(%arg8 : memref<!tpu.dma_semaphore, #tpu.memory_space<semaphore_mem>>)
      %slice3A_296 = vector.extract_strided_slice %get3A_21 {offsets = [14], sizes = [1], strides = [1]} : vector<16xi32> to vector<1xi32>
      %squeeze3A_297 = vector.extract %slice3A_296[0] : i32 from vector<1xi32>
      %shift_right_arithmetic3A_298 = arith.constant 7 : i32
      %shift_right_arithmetic3A_299 = arith.shrsi %squeeze3A_297, %shift_right_arithmetic3A_298 : i32
      %shift_left3A_300 = arith.constant 7 : i32
      %shift_left3A_301 = arith.shli %shift_right_arithmetic3A_299, %shift_left3A_300 : i32
      %multiple_of3A_302 = tpu.assume_multiple %shift_left3A_301, 128 : i32
      %dma_start3A_303 = arith.constant 14 : i32
      %dma_start3A_304 = arith.constant 0 : i32
      %dma_start3A_305 = arith.constant 0 : i32
      %dma_start3A_306 = tpu.memref_slice %arg6[%dma_start3A_303, %dma_start3A_304, %dma_start3A_305] : memref<16x32x128xf32, #tpu.memory_space<vmem>> -> memref<1x32x128xf32, #tpu.memory_space<vmem>>
      %dma_start3A_307 = tpu.memref_squeeze %dma_start3A_306 : memref<1x32x128xf32, #tpu.memory_space<vmem>> -> memref<32x128xf32, #tpu.memory_space<vmem>>
      %dma_start3A_308 = arith.constant 0 : i32
      %dma_start3A_309 = tpu.memref_slice %arg3[%dma_start3A_308, %multiple_of3A_302] : memref<32x1000000xf32, #tpu.memory_space<hbm>> -> memref<32x128xf32, #tpu.memory_space<hbm>>
      %dma_start3A_310 = arith.constant 0 : i32
      %dma_start3A_311 = arith.constant 0 : i32
      %dma_start3A_312 = tpu.memref_slice %arg6[%dma_start3A_303, %dma_start3A_310, %dma_start3A_311] : memref<16x32x128xf32, #tpu.memory_space<vmem>> -> memref<1x32x128xf32, #tpu.memory_space<vmem>>
      %dma_start3A_313 = tpu.memref_squeeze %dma_start3A_312 : memref<1x32x128xf32, #tpu.memory_space<vmem>> -> memref<32x128xf32, #tpu.memory_space<vmem>>
      %dma_start3A_314 = arith.constant 0 : i32
      %dma_start3A_315 = tpu.memref_slice %arg3[%dma_start3A_314, %multiple_of3A_302] : memref<32x1000000xf32, #tpu.memory_space<hbm>> -> memref<32x128xf32, #tpu.memory_space<hbm>>
      tpu.enqueue_dma source(%dma_start3A_315 : memref<32x128xf32, #tpu.memory_space<hbm>>) target(%dma_start3A_313 : memref<32x128xf32, #tpu.memory_space<vmem>>) target_semaphore(%arg8 : memref<!tpu.dma_semaphore, #tpu.memory_space<semaphore_mem>>)
      %slice3A_316 = vector.extract_strided_slice %get3A_21 {offsets = [15], sizes = [1], strides = [1]} : vector<16xi32> to vector<1xi32>
      %squeeze3A_317 = vector.extract %slice3A_316[0] : i32 from vector<1xi32>
      %shift_right_arithmetic3A_318 = arith.constant 7 : i32
      %shift_right_arithmetic3A_319 = arith.shrsi %squeeze3A_317, %shift_right_arithmetic3A_318 : i32
      %shift_left3A_320 = arith.constant 7 : i32
      %shift_left3A_321 = arith.shli %shift_right_arithmetic3A_319, %shift_left3A_320 : i32
      %multiple_of3A_322 = tpu.assume_multiple %shift_left3A_321, 128 : i32
      %dma_start3A_323 = arith.constant 15 : i32
      %dma_start3A_324 = arith.constant 0 : i32
      %dma_start3A_325 = arith.constant 0 : i32
      %dma_start3A_326 = tpu.memref_slice %arg6[%dma_start3A_323, %dma_start3A_324, %dma_start3A_325] : memref<16x32x128xf32, #tpu.memory_space<vmem>> -> memref<1x32x128xf32, #tpu.memory_space<vmem>>
      %dma_start3A_327 = tpu.memref_squeeze %dma_start3A_326 : memref<1x32x128xf32, #tpu.memory_space<vmem>> -> memref<32x128xf32, #tpu.memory_space<vmem>>
      %dma_start3A_328 = arith.constant 0 : i32
      %dma_start3A_329 = tpu.memref_slice %arg3[%dma_start3A_328, %multiple_of3A_322] : memref<32x1000000xf32, #tpu.memory_space<hbm>> -> memref<32x128xf32, #tpu.memory_space<hbm>>
      %dma_start3A_330 = arith.constant 0 : i32
      %dma_start3A_331 = arith.constant 0 : i32
      %dma_start3A_332 = tpu.memref_slice %arg6[%dma_start3A_323, %dma_start3A_330, %dma_start3A_331] : memref<16x32x128xf32, #tpu.memory_space<vmem>> -> memref<1x32x128xf32, #tpu.memory_space<vmem>>
      %dma_start3A_333 = tpu.memref_squeeze %dma_start3A_332 : memref<1x32x128xf32, #tpu.memory_space<vmem>> -> memref<32x128xf32, #tpu.memory_space<vmem>>
      %dma_start3A_334 = arith.constant 0 : i32
      %dma_start3A_335 = tpu.memref_slice %arg3[%dma_start3A_334, %multiple_of3A_322] : memref<32x1000000xf32, #tpu.memory_space<hbm>> -> memref<32x128xf32, #tpu.memory_space<hbm>>
      tpu.enqueue_dma source(%dma_start3A_335 : memref<32x128xf32, #tpu.memory_space<hbm>>) target(%dma_start3A_333 : memref<32x128xf32, #tpu.memory_space<vmem>>) target_semaphore(%arg8 : memref<!tpu.dma_semaphore, #tpu.memory_space<semaphore_mem>>)
      %and3A = arith.constant 7 : i32
      %and3A_336 = arith.andi %add3A_18, %and3A : i32
      %mul3A_337 = arith.constant 16 : i32
      %mul3A_338 = arith.muli %and3A_336, %mul3A_337 : i32
      %dma_wait3A = arith.constant 0 : i32
      %dma_wait3A_339 = arith.constant 0 : i32
      %dma_wait3A_340 = arith.constant 0 : i32
      %dma_wait3A_341 = tpu.memref_slice %arg6[%dma_wait3A, %dma_wait3A_339, %dma_wait3A_340] : memref<16x32x128xf32, #tpu.memory_space<vmem>> -> memref<1x32x128xf32, #tpu.memory_space<vmem>>
      %dma_wait3A_342 = tpu.memref_squeeze %dma_wait3A_341 : memref<1x32x128xf32, #tpu.memory_space<vmem>> -> memref<32x128xf32, #tpu.memory_space<vmem>>
      %dma_wait3A_343 = arith.constant 0 : i32
      %dma_wait3A_344 = tpu.memref_slice %arg3[%dma_wait3A_343, %multiple_of3A] : memref<32x1000000xf32, #tpu.memory_space<hbm>> -> memref<32x128xf32, #tpu.memory_space<hbm>>
      %dma_wait3A_345 = arith.constant 0 : i32
      %dma_wait3A_346 = arith.constant 0 : i32
      %dma_wait3A_347 = tpu.memref_slice %arg6[%dma_wait3A, %dma_wait3A_345, %dma_wait3A_346] : memref<16x32x128xf32, #tpu.memory_space<vmem>> -> memref<1x32x128xf32, #tpu.memory_space<vmem>>
      %dma_wait3A_348 = tpu.memref_squeeze %dma_wait3A_347 : memref<1x32x128xf32, #tpu.memory_space<vmem>> -> memref<32x128xf32, #tpu.memory_space<vmem>>
      %dma_wait3A_349 = arith.constant 0 : i32
      %dma_wait3A_350 = tpu.memref_slice %arg3[%dma_wait3A_349, %multiple_of3A] : memref<32x1000000xf32, #tpu.memory_space<hbm>> -> memref<32x128xf32, #tpu.memory_space<hbm>>
      tpu.wait_dma2 semaphore(%arg8 : memref<!tpu.dma_semaphore, #tpu.memory_space<semaphore_mem>>) src(%dma_wait3A_350 : memref<32x128xf32, #tpu.memory_space<hbm>>) dst(%dma_wait3A_348 : memref<32x128xf32, #tpu.memory_space<vmem>>)
      %slice3A_351 = vector.extract_strided_slice %get3A_21 {offsets = [0], sizes = [1], strides = [1]} : vector<16xi32> to vector<1xi32>
      %squeeze3A_352 = vector.extract %slice3A_351[0] : i32 from vector<1xi32>
      %and3A_353 = arith.constant 127 : i32
      %and3A_354 = arith.andi %squeeze3A_352, %and3A_353 : i32
      %broadcast_in_dim3A = vector.broadcast %and3A_354 : i32 to vector<16xi32>
      %add3A_355 = arith.constant 0 : i32
      %add3A_356 = arith.addi %mul3A_338, %add3A_355 : i32
      %broadcast_in_dim3A_357 = vector.broadcast %add3A_356 : i32 to vector<16xi32>
      %gather3A = arith.constant 0 : i32
      %gather3A_358 = arith.constant 0 : i32
      %gather3A_359 = arith.constant 0 : i32
      %gather3A_360 = tpu.memref_slice %arg6[%gather3A, %gather3A_358, %gather3A_359] : memref<16x32x128xf32, #tpu.memory_space<vmem>> -> memref<1x32x128xf32, #tpu.memory_space<vmem>>
      %gather3A_361 = tpu.memref_squeeze %gather3A_360 : memref<1x32x128xf32, #tpu.memory_space<vmem>> -> memref<32x128xf32, #tpu.memory_space<vmem>>
      %gather3A_362 = tpu.vector_load_idx %gather3A_361[%add3A_5, %broadcast_in_dim3A] : memref<32x128xf32, #tpu.memory_space<vmem>>[vector<16xi32>, vector<16xi32>], vector<16xf32>,
      tpu.vector_store_idx %arg7[%add3A_5, %broadcast_in_dim3A_357], %gather3A_362 : memref<32x128xf32, #tpu.memory_space<vmem>>[vector<16xi32>, vector<16xi32>], vector<16xf32>,
      %gather3A_363 = arith.constant 0 : i32
      %gather3A_364 = arith.constant 0 : i32
      %gather3A_365 = arith.constant 0 : i32
      %gather3A_366 = tpu.memref_slice %arg6[%gather3A_363, %gather3A_364, %gather3A_365] : memref<16x32x128xf32, #tpu.memory_space<vmem>> -> memref<1x32x128xf32, #tpu.memory_space<vmem>>
      %gather3A_367 = tpu.memref_squeeze %gather3A_366 : memref<1x32x128xf32, #tpu.memory_space<vmem>> -> memref<32x128xf32, #tpu.memory_space<vmem>>
      %gather3A_368 = tpu.vector_load_idx %gather3A_367[%add3A_9, %broadcast_in_dim3A] : memref<32x128xf32, #tpu.memory_space<vmem>>[vector<16xi32>, vector<16xi32>], vector<16xf32>,
      tpu.vector_store_idx %arg7[%add3A_9, %broadcast_in_dim3A_357], %gather3A_368 : memref<32x128xf32, #tpu.memory_space<vmem>>[vector<16xi32>, vector<16xi32>], vector<16xf32>,
      %dma_wait3A_369 = arith.constant 1 : i32
      %dma_wait3A_370 = arith.constant 0 : i32
      %dma_wait3A_371 = arith.constant 0 : i32
      %dma_wait3A_372 = tpu.memref_slice %arg6[%dma_wait3A_369, %dma_wait3A_370, %dma_wait3A_371] : memref<16x32x128xf32, #tpu.memory_space<vmem>> -> memref<1x32x128xf32, #tpu.memory_space<vmem>>
      %dma_wait3A_373 = tpu.memref_squeeze %dma_wait3A_372 : memref<1x32x128xf32, #tpu.memory_space<vmem>> -> memref<32x128xf32, #tpu.memory_space<vmem>>
      %dma_wait3A_374 = arith.constant 0 : i32
      %dma_wait3A_375 = tpu.memref_slice %arg3[%dma_wait3A_374, %multiple_of3A_42] : memref<32x1000000xf32, #tpu.memory_space<hbm>> -> memref<32x128xf32, #tpu.memory_space<hbm>>
      %dma_wait3A_376 = arith.constant 0 : i32
      %dma_wait3A_377 = arith.constant 0 : i32
      %dma_wait3A_378 = tpu.memref_slice %arg6[%dma_wait3A_369, %dma_wait3A_376, %dma_wait3A_377] : memref<16x32x128xf32, #tpu.memory_space<vmem>> -> memref<1x32x128xf32, #tpu.memory_space<vmem>>
      %dma_wait3A_379 = tpu.memref_squeeze %dma_wait3A_378 : memref<1x32x128xf32, #tpu.memory_space<vmem>> -> memref<32x128xf32, #tpu.memory_space<vmem>>
      %dma_wait3A_380 = arith.constant 0 : i32
      %dma_wait3A_381 = tpu.memref_slice %arg3[%dma_wait3A_380, %multiple_of3A_42] : memref<32x1000000xf32, #tpu.memory_space<hbm>> -> memref<32x128xf32, #tpu.memory_space<hbm>>
      tpu.wait_dma2 semaphore(%arg8 : memref<!tpu.dma_semaphore, #tpu.memory_space<semaphore_mem>>) src(%dma_wait3A_381 : memref<32x128xf32, #tpu.memory_space<hbm>>) dst(%dma_wait3A_379 : memref<32x128xf32, #tpu.memory_space<vmem>>)
      %slice3A_382 = vector.extract_strided_slice %get3A_21 {offsets = [1], sizes = [1], strides = [1]} : vector<16xi32> to vector<1xi32>
      %squeeze3A_383 = vector.extract %slice3A_382[0] : i32 from vector<1xi32>
      %and3A_384 = arith.constant 127 : i32
      %and3A_385 = arith.andi %squeeze3A_383, %and3A_384 : i32
      %broadcast_in_dim3A_386 = vector.broadcast %and3A_385 : i32 to vector<16xi32>
      %add3A_387 = arith.constant 1 : i32
      %add3A_388 = arith.addi %mul3A_338, %add3A_387 : i32
      %broadcast_in_dim3A_389 = vector.broadcast %add3A_388 : i32 to vector<16xi32>
      %gather3A_390 = arith.constant 1 : i32
      %gather3A_391 = arith.constant 0 : i32
      %gather3A_392 = arith.constant 0 : i32
      %gather3A_393 = tpu.memref_slice %arg6[%gather3A_390, %gather3A_391, %gather3A_392] : memref<16x32x128xf32, #tpu.memory_space<vmem>> -> memref<1x32x128xf32, #tpu.memory_space<vmem>>
      %gather3A_394 = tpu.memref_squeeze %gather3A_393 : memref<1x32x128xf32, #tpu.memory_space<vmem>> -> memref<32x128xf32, #tpu.memory_space<vmem>>
      %gather3A_395 = tpu.vector_load_idx %gather3A_394[%add3A_5, %broadcast_in_dim3A_386] : memref<32x128xf32, #tpu.memory_space<vmem>>[vector<16xi32>, vector<16xi32>], vector<16xf32>,
      tpu.vector_store_idx %arg7[%add3A_5, %broadcast_in_dim3A_389], %gather3A_395 : memref<32x128xf32, #tpu.memory_space<vmem>>[vector<16xi32>, vector<16xi32>], vector<16xf32>,
      %gather3A_396 = arith.constant 1 : i32
      %gather3A_397 = arith.constant 0 : i32
      %gather3A_398 = arith.constant 0 : i32
      %gather3A_399 = tpu.memref_slice %arg6[%gather3A_396, %gather3A_397, %gather3A_398] : memref<16x32x128xf32, #tpu.memory_space<vmem>> -> memref<1x32x128xf32, #tpu.memory_space<vmem>>
      %gather3A_400 = tpu.memref_squeeze %gather3A_399 : memref<1x32x128xf32, #tpu.memory_space<vmem>> -> memref<32x128xf32, #tpu.memory_space<vmem>>
      %gather3A_401 = tpu.vector_load_idx %gather3A_400[%add3A_9, %broadcast_in_dim3A_386] : memref<32x128xf32, #tpu.memory_space<vmem>>[vector<16xi32>, vector<16xi32>], vector<16xf32>,
      tpu.vector_store_idx %arg7[%add3A_9, %broadcast_in_dim3A_389], %gather3A_401 : memref<32x128xf32, #tpu.memory_space<vmem>>[vector<16xi32>, vector<16xi32>], vector<16xf32>,
      %dma_wait3A_402 = arith.constant 2 : i32
      %dma_wait3A_403 = arith.constant 0 : i32
      %dma_wait3A_404 = arith.constant 0 : i32
      %dma_wait3A_405 = tpu.memref_slice %arg6[%dma_wait3A_402, %dma_wait3A_403, %dma_wait3A_404] : memref<16x32x128xf32, #tpu.memory_space<vmem>> -> memref<1x32x128xf32, #tpu.memory_space<vmem>>
      %dma_wait3A_406 = tpu.memref_squeeze %dma_wait3A_405 : memref<1x32x128xf32, #tpu.memory_space<vmem>> -> memref<32x128xf32, #tpu.memory_space<vmem>>
      %dma_wait3A_407 = arith.constant 0 : i32
      %dma_wait3A_408 = tpu.memref_slice %arg3[%dma_wait3A_407, %multiple_of3A_62] : memref<32x1000000xf32, #tpu.memory_space<hbm>> -> memref<32x128xf32, #tpu.memory_space<hbm>>
      %dma_wait3A_409 = arith.constant 0 : i32
      %dma_wait3A_410 = arith.constant 0 : i32
      %dma_wait3A_411 = tpu.memref_slice %arg6[%dma_wait3A_402, %dma_wait3A_409, %dma_wait3A_410] : memref<16x32x128xf32, #tpu.memory_space<vmem>> -> memref<1x32x128xf32, #tpu.memory_space<vmem>>
      %dma_wait3A_412 = tpu.memref_squeeze %dma_wait3A_411 : memref<1x32x128xf32, #tpu.memory_space<vmem>> -> memref<32x128xf32, #tpu.memory_space<vmem>>
      %dma_wait3A_413 = arith.constant 0 : i32
      %dma_wait3A_414 = tpu.memref_slice %arg3[%dma_wait3A_413, %multiple_of3A_62] : memref<32x1000000xf32, #tpu.memory_space<hbm>> -> memref<32x128xf32, #tpu.memory_space<hbm>>
      tpu.wait_dma2 semaphore(%arg8 : memref<!tpu.dma_semaphore, #tpu.memory_space<semaphore_mem>>) src(%dma_wait3A_414 : memref<32x128xf32, #tpu.memory_space<hbm>>) dst(%dma_wait3A_412 : memref<32x128xf32, #tpu.memory_space<vmem>>)
      %slice3A_415 = vector.extract_strided_slice %get3A_21 {offsets = [2], sizes = [1], strides = [1]} : vector<16xi32> to vector<1xi32>
      %squeeze3A_416 = vector.extract %slice3A_415[0] : i32 from vector<1xi32>
      %and3A_417 = arith.constant 127 : i32
      %and3A_418 = arith.andi %squeeze3A_416, %and3A_417 : i32
      %broadcast_in_dim3A_419 = vector.broadcast %and3A_418 : i32 to vector<16xi32>
      %add3A_420 = arith.constant 2 : i32
      %add3A_421 = arith.addi %mul3A_338, %add3A_420 : i32
      %broadcast_in_dim3A_422 = vector.broadcast %add3A_421 : i32 to vector<16xi32>
      %gather3A_423 = arith.constant 2 : i32
      %gather3A_424 = arith.constant 0 : i32
      %gather3A_425 = arith.constant 0 : i32
      %gather3A_426 = tpu.memref_slice %arg6[%gather3A_423, %gather3A_424, %gather3A_425] : memref<16x32x128xf32, #tpu.memory_space<vmem>> -> memref<1x32x128xf32, #tpu.memory_space<vmem>>
      %gather3A_427 = tpu.memref_squeeze %gather3A_426 : memref<1x32x128xf32, #tpu.memory_space<vmem>> -> memref<32x128xf32, #tpu.memory_space<vmem>>
      %gather3A_428 = tpu.vector_load_idx %gather3A_427[%add3A_5, %broadcast_in_dim3A_419] : memref<32x128xf32, #tpu.memory_space<vmem>>[vector<16xi32>, vector<16xi32>], vector<16xf32>,
      tpu.vector_store_idx %arg7[%add3A_5, %broadcast_in_dim3A_422], %gather3A_428 : memref<32x128xf32, #tpu.memory_space<vmem>>[vector<16xi32>, vector<16xi32>], vector<16xf32>,
      %gather3A_429 = arith.constant 2 : i32
      %gather3A_430 = arith.constant 0 : i32
      %gather3A_431 = arith.constant 0 : i32
      %gather3A_432 = tpu.memref_slice %arg6[%gather3A_429, %gather3A_430, %gather3A_431] : memref<16x32x128xf32, #tpu.memory_space<vmem>> -> memref<1x32x128xf32, #tpu.memory_space<vmem>>
      %gather3A_433 = tpu.memref_squeeze %gather3A_432 : memref<1x32x128xf32, #tpu.memory_space<vmem>> -> memref<32x128xf32, #tpu.memory_space<vmem>>
      %gather3A_434 = tpu.vector_load_idx %gather3A_433[%add3A_9, %broadcast_in_dim3A_419] : memref<32x128xf32, #tpu.memory_space<vmem>>[vector<16xi32>, vector<16xi32>], vector<16xf32>,
      tpu.vector_store_idx %arg7[%add3A_9, %broadcast_in_dim3A_422], %gather3A_434 : memref<32x128xf32, #tpu.memory_space<vmem>>[vector<16xi32>, vector<16xi32>], vector<16xf32>,
      %dma_wait3A_435 = arith.constant 3 : i32
      %dma_wait3A_436 = arith.constant 0 : i32
      %dma_wait3A_437 = arith.constant 0 : i32
      %dma_wait3A_438 = tpu.memref_slice %arg6[%dma_wait3A_435, %dma_wait3A_436, %dma_wait3A_437] : memref<16x32x128xf32, #tpu.memory_space<vmem>> -> memref<1x32x128xf32, #tpu.memory_space<vmem>>
      %dma_wait3A_439 = tpu.memref_squeeze %dma_wait3A_438 : memref<1x32x128xf32, #tpu.memory_space<vmem>> -> memref<32x128xf32, #tpu.memory_space<vmem>>
      %dma_wait3A_440 = arith.constant 0 : i32
      %dma_wait3A_441 = tpu.memref_slice %arg3[%dma_wait3A_440, %multiple_of3A_82] : memref<32x1000000xf32, #tpu.memory_space<hbm>> -> memref<32x128xf32, #tpu.memory_space<hbm>>
      %dma_wait3A_442 = arith.constant 0 : i32
      %dma_wait3A_443 = arith.constant 0 : i32
      %dma_wait3A_444 = tpu.memref_slice %arg6[%dma_wait3A_435, %dma_wait3A_442, %dma_wait3A_443] : memref<16x32x128xf32, #tpu.memory_space<vmem>> -> memref<1x32x128xf32, #tpu.memory_space<vmem>>
      %dma_wait3A_445 = tpu.memref_squeeze %dma_wait3A_444 : memref<1x32x128xf32, #tpu.memory_space<vmem>> -> memref<32x128xf32, #tpu.memory_space<vmem>>
      %dma_wait3A_446 = arith.constant 0 : i32
      %dma_wait3A_447 = tpu.memref_slice %arg3[%dma_wait3A_446, %multiple_of3A_82] : memref<32x1000000xf32, #tpu.memory_space<hbm>> -> memref<32x128xf32, #tpu.memory_space<hbm>>
      tpu.wait_dma2 semaphore(%arg8 : memref<!tpu.dma_semaphore, #tpu.memory_space<semaphore_mem>>) src(%dma_wait3A_447 : memref<32x128xf32, #tpu.memory_space<hbm>>) dst(%dma_wait3A_445 : memref<32x128xf32, #tpu.memory_space<vmem>>)
      %slice3A_448 = vector.extract_strided_slice %get3A_21 {offsets = [3], sizes = [1], strides = [1]} : vector<16xi32> to vector<1xi32>
      %squeeze3A_449 = vector.extract %slice3A_448[0] : i32 from vector<1xi32>
      %and3A_450 = arith.constant 127 : i32
      %and3A_451 = arith.andi %squeeze3A_449, %and3A_450 : i32
      %broadcast_in_dim3A_452 = vector.broadcast %and3A_451 : i32 to vector<16xi32>
      %add3A_453 = arith.constant 3 : i32
      %add3A_454 = arith.addi %mul3A_338, %add3A_453 : i32
      %broadcast_in_dim3A_455 = vector.broadcast %add3A_454 : i32 to vector<16xi32>
      %gather3A_456 = arith.constant 3 : i32
      %gather3A_457 = arith.constant 0 : i32
      %gather3A_458 = arith.constant 0 : i32
      %gather3A_459 = tpu.memref_slice %arg6[%gather3A_456, %gather3A_457, %gather3A_458] : memref<16x32x128xf32, #tpu.memory_space<vmem>> -> memref<1x32x128xf32, #tpu.memory_space<vmem>>
      %gather3A_460 = tpu.memref_squeeze %gather3A_459 : memref<1x32x128xf32, #tpu.memory_space<vmem>> -> memref<32x128xf32, #tpu.memory_space<vmem>>
      %gather3A_461 = tpu.vector_load_idx %gather3A_460[%add3A_5, %broadcast_in_dim3A_452] : memref<32x128xf32, #tpu.memory_space<vmem>>[vector<16xi32>, vector<16xi32>], vector<16xf32>,
      tpu.vector_store_idx %arg7[%add3A_5, %broadcast_in_dim3A_455], %gather3A_461 : memref<32x128xf32, #tpu.memory_space<vmem>>[vector<16xi32>, vector<16xi32>], vector<16xf32>,
      %gather3A_462 = arith.constant 3 : i32
      %gather3A_463 = arith.constant 0 : i32
      %gather3A_464 = arith.constant 0 : i32
      %gather3A_465 = tpu.memref_slice %arg6[%gather3A_462, %gather3A_463, %gather3A_464] : memref<16x32x128xf32, #tpu.memory_space<vmem>> -> memref<1x32x128xf32, #tpu.memory_space<vmem>>
      %gather3A_466 = tpu.memref_squeeze %gather3A_465 : memref<1x32x128xf32, #tpu.memory_space<vmem>> -> memref<32x128xf32, #tpu.memory_space<vmem>>
      %gather3A_467 = tpu.vector_load_idx %gather3A_466[%add3A_9, %broadcast_in_dim3A_452] : memref<32x128xf32, #tpu.memory_space<vmem>>[vector<16xi32>, vector<16xi32>], vector<16xf32>,
      tpu.vector_store_idx %arg7[%add3A_9, %broadcast_in_dim3A_455], %gather3A_467 : memref<32x128xf32, #tpu.memory_space<vmem>>[vector<16xi32>, vector<16xi32>], vector<16xf32>,
      %dma_wait3A_468 = arith.constant 4 : i32
      %dma_wait3A_469 = arith.constant 0 : i32
      %dma_wait3A_470 = arith.constant 0 : i32
      %dma_wait3A_471 = tpu.memref_slice %arg6[%dma_wait3A_468, %dma_wait3A_469, %dma_wait3A_470] : memref<16x32x128xf32, #tpu.memory_space<vmem>> -> memref<1x32x128xf32, #tpu.memory_space<vmem>>
      %dma_wait3A_472 = tpu.memref_squeeze %dma_wait3A_471 : memref<1x32x128xf32, #tpu.memory_space<vmem>> -> memref<32x128xf32, #tpu.memory_space<vmem>>
      %dma_wait3A_473 = arith.constant 0 : i32
      %dma_wait3A_474 = tpu.memref_slice %arg3[%dma_wait3A_473, %multiple_of3A_102] : memref<32x1000000xf32, #tpu.memory_space<hbm>> -> memref<32x128xf32, #tpu.memory_space<hbm>>
      %dma_wait3A_475 = arith.constant 0 : i32
      %dma_wait3A_476 = arith.constant 0 : i32
      %dma_wait3A_477 = tpu.memref_slice %arg6[%dma_wait3A_468, %dma_wait3A_475, %dma_wait3A_476] : memref<16x32x128xf32, #tpu.memory_space<vmem>> -> memref<1x32x128xf32, #tpu.memory_space<vmem>>
      %dma_wait3A_478 = tpu.memref_squeeze %dma_wait3A_477 : memref<1x32x128xf32, #tpu.memory_space<vmem>> -> memref<32x128xf32, #tpu.memory_space<vmem>>
      %dma_wait3A_479 = arith.constant 0 : i32
      %dma_wait3A_480 = tpu.memref_slice %arg3[%dma_wait3A_479, %multiple_of3A_102] : memref<32x1000000xf32, #tpu.memory_space<hbm>> -> memref<32x128xf32, #tpu.memory_space<hbm>>
      tpu.wait_dma2 semaphore(%arg8 : memref<!tpu.dma_semaphore, #tpu.memory_space<semaphore_mem>>) src(%dma_wait3A_480 : memref<32x128xf32, #tpu.memory_space<hbm>>) dst(%dma_wait3A_478 : memref<32x128xf32, #tpu.memory_space<vmem>>)
      %slice3A_481 = vector.extract_strided_slice %get3A_21 {offsets = [4], sizes = [1], strides = [1]} : vector<16xi32> to vector<1xi32>
      %squeeze3A_482 = vector.extract %slice3A_481[0] : i32 from vector<1xi32>
      %and3A_483 = arith.constant 127 : i32
      %and3A_484 = arith.andi %squeeze3A_482, %and3A_483 : i32
      %broadcast_in_dim3A_485 = vector.broadcast %and3A_484 : i32 to vector<16xi32>
      %add3A_486 = arith.constant 4 : i32
      %add3A_487 = arith.addi %mul3A_338, %add3A_486 : i32
      %broadcast_in_dim3A_488 = vector.broadcast %add3A_487 : i32 to vector<16xi32>
      %gather3A_489 = arith.constant 4 : i32
      %gather3A_490 = arith.constant 0 : i32
      %gather3A_491 = arith.constant 0 : i32
      %gather3A_492 = tpu.memref_slice %arg6[%gather3A_489, %gather3A_490, %gather3A_491] : memref<16x32x128xf32, #tpu.memory_space<vmem>> -> memref<1x32x128xf32, #tpu.memory_space<vmem>>
      %gather3A_493 = tpu.memref_squeeze %gather3A_492 : memref<1x32x128xf32, #tpu.memory_space<vmem>> -> memref<32x128xf32, #tpu.memory_space<vmem>>
      %gather3A_494 = tpu.vector_load_idx %gather3A_493[%add3A_5, %broadcast_in_dim3A_485] : memref<32x128xf32, #tpu.memory_space<vmem>>[vector<16xi32>, vector<16xi32>], vector<16xf32>,
      tpu.vector_store_idx %arg7[%add3A_5, %broadcast_in_dim3A_488], %gather3A_494 : memref<32x128xf32, #tpu.memory_space<vmem>>[vector<16xi32>, vector<16xi32>], vector<16xf32>,
      %gather3A_495 = arith.constant 4 : i32
      %gather3A_496 = arith.constant 0 : i32
      %gather3A_497 = arith.constant 0 : i32
      %gather3A_498 = tpu.memref_slice %arg6[%gather3A_495, %gather3A_496, %gather3A_497] : memref<16x32x128xf32, #tpu.memory_space<vmem>> -> memref<1x32x128xf32, #tpu.memory_space<vmem>>
      %gather3A_499 = tpu.memref_squeeze %gather3A_498 : memref<1x32x128xf32, #tpu.memory_space<vmem>> -> memref<32x128xf32, #tpu.memory_space<vmem>>
      %gather3A_500 = tpu.vector_load_idx %gather3A_499[%add3A_9, %broadcast_in_dim3A_485] : memref<32x128xf32, #tpu.memory_space<vmem>>[vector<16xi32>, vector<16xi32>], vector<16xf32>,
      tpu.vector_store_idx %arg7[%add3A_9, %broadcast_in_dim3A_488], %gather3A_500 : memref<32x128xf32, #tpu.memory_space<vmem>>[vector<16xi32>, vector<16xi32>], vector<16xf32>,
      %dma_wait3A_501 = arith.constant 5 : i32
      %dma_wait3A_502 = arith.constant 0 : i32
      %dma_wait3A_503 = arith.constant 0 : i32
      %dma_wait3A_504 = tpu.memref_slice %arg6[%dma_wait3A_501, %dma_wait3A_502, %dma_wait3A_503] : memref<16x32x128xf32, #tpu.memory_space<vmem>> -> memref<1x32x128xf32, #tpu.memory_space<vmem>>
      %dma_wait3A_505 = tpu.memref_squeeze %dma_wait3A_504 : memref<1x32x128xf32, #tpu.memory_space<vmem>> -> memref<32x128xf32, #tpu.memory_space<vmem>>
      %dma_wait3A_506 = arith.constant 0 : i32
      %dma_wait3A_507 = tpu.memref_slice %arg3[%dma_wait3A_506, %multiple_of3A_122] : memref<32x1000000xf32, #tpu.memory_space<hbm>> -> memref<32x128xf32, #tpu.memory_space<hbm>>
      %dma_wait3A_508 = arith.constant 0 : i32
      %dma_wait3A_509 = arith.constant 0 : i32
      %dma_wait3A_510 = tpu.memref_slice %arg6[%dma_wait3A_501, %dma_wait3A_508, %dma_wait3A_509] : memref<16x32x128xf32, #tpu.memory_space<vmem>> -> memref<1x32x128xf32, #tpu.memory_space<vmem>>
      %dma_wait3A_511 = tpu.memref_squeeze %dma_wait3A_510 : memref<1x32x128xf32, #tpu.memory_space<vmem>> -> memref<32x128xf32, #tpu.memory_space<vmem>>
      %dma_wait3A_512 = arith.constant 0 : i32
      %dma_wait3A_513 = tpu.memref_slice %arg3[%dma_wait3A_512, %multiple_of3A_122] : memref<32x1000000xf32, #tpu.memory_space<hbm>> -> memref<32x128xf32, #tpu.memory_space<hbm>>
      tpu.wait_dma2 semaphore(%arg8 : memref<!tpu.dma_semaphore, #tpu.memory_space<semaphore_mem>>) src(%dma_wait3A_513 : memref<32x128xf32, #tpu.memory_space<hbm>>) dst(%dma_wait3A_511 : memref<32x128xf32, #tpu.memory_space<vmem>>)
      %slice3A_514 = vector.extract_strided_slice %get3A_21 {offsets = [5], sizes = [1], strides = [1]} : vector<16xi32> to vector<1xi32>
      %squeeze3A_515 = vector.extract %slice3A_514[0] : i32 from vector<1xi32>
      %and3A_516 = arith.constant 127 : i32
      %and3A_517 = arith.andi %squeeze3A_515, %and3A_516 : i32
      %broadcast_in_dim3A_518 = vector.broadcast %and3A_517 : i32 to vector<16xi32>
      %add3A_519 = arith.constant 5 : i32
      %add3A_520 = arith.addi %mul3A_338, %add3A_519 : i32
      %broadcast_in_dim3A_521 = vector.broadcast %add3A_520 : i32 to vector<16xi32>
      %gather3A_522 = arith.constant 5 : i32
      %gather3A_523 = arith.constant 0 : i32
      %gather3A_524 = arith.constant 0 : i32
      %gather3A_525 = tpu.memref_slice %arg6[%gather3A_522, %gather3A_523, %gather3A_524] : memref<16x32x128xf32, #tpu.memory_space<vmem>> -> memref<1x32x128xf32, #tpu.memory_space<vmem>>
      %gather3A_526 = tpu.memref_squeeze %gather3A_525 : memref<1x32x128xf32, #tpu.memory_space<vmem>> -> memref<32x128xf32, #tpu.memory_space<vmem>>
      %gather3A_527 = tpu.vector_load_idx %gather3A_526[%add3A_5, %broadcast_in_dim3A_518] : memref<32x128xf32, #tpu.memory_space<vmem>>[vector<16xi32>, vector<16xi32>], vector<16xf32>,
      tpu.vector_store_idx %arg7[%add3A_5, %broadcast_in_dim3A_521], %gather3A_527 : memref<32x128xf32, #tpu.memory_space<vmem>>[vector<16xi32>, vector<16xi32>], vector<16xf32>,
      %gather3A_528 = arith.constant 5 : i32
      %gather3A_529 = arith.constant 0 : i32
      %gather3A_530 = arith.constant 0 : i32
      %gather3A_531 = tpu.memref_slice %arg6[%gather3A_528, %gather3A_529, %gather3A_530] : memref<16x32x128xf32, #tpu.memory_space<vmem>> -> memref<1x32x128xf32, #tpu.memory_space<vmem>>
      %gather3A_532 = tpu.memref_squeeze %gather3A_531 : memref<1x32x128xf32, #tpu.memory_space<vmem>> -> memref<32x128xf32, #tpu.memory_space<vmem>>
      %gather3A_533 = tpu.vector_load_idx %gather3A_532[%add3A_9, %broadcast_in_dim3A_518] : memref<32x128xf32, #tpu.memory_space<vmem>>[vector<16xi32>, vector<16xi32>], vector<16xf32>,
      tpu.vector_store_idx %arg7[%add3A_9, %broadcast_in_dim3A_521], %gather3A_533 : memref<32x128xf32, #tpu.memory_space<vmem>>[vector<16xi32>, vector<16xi32>], vector<16xf32>,
      %dma_wait3A_534 = arith.constant 6 : i32
      %dma_wait3A_535 = arith.constant 0 : i32
      %dma_wait3A_536 = arith.constant 0 : i32
      %dma_wait3A_537 = tpu.memref_slice %arg6[%dma_wait3A_534, %dma_wait3A_535, %dma_wait3A_536] : memref<16x32x128xf32, #tpu.memory_space<vmem>> -> memref<1x32x128xf32, #tpu.memory_space<vmem>>
      %dma_wait3A_538 = tpu.memref_squeeze %dma_wait3A_537 : memref<1x32x128xf32, #tpu.memory_space<vmem>> -> memref<32x128xf32, #tpu.memory_space<vmem>>
      %dma_wait3A_539 = arith.constant 0 : i32
      %dma_wait3A_540 = tpu.memref_slice %arg3[%dma_wait3A_539, %multiple_of3A_142] : memref<32x1000000xf32, #tpu.memory_space<hbm>> -> memref<32x128xf32, #tpu.memory_space<hbm>>
      %dma_wait3A_541 = arith.constant 0 : i32
      %dma_wait3A_542 = arith.constant 0 : i32
      %dma_wait3A_543 = tpu.memref_slice %arg6[%dma_wait3A_534, %dma_wait3A_541, %dma_wait3A_542] : memref<16x32x128xf32, #tpu.memory_space<vmem>> -> memref<1x32x128xf32, #tpu.memory_space<vmem>>
      %dma_wait3A_544 = tpu.memref_squeeze %dma_wait3A_543 : memref<1x32x128xf32, #tpu.memory_space<vmem>> -> memref<32x128xf32, #tpu.memory_space<vmem>>
      %dma_wait3A_545 = arith.constant 0 : i32
      %dma_wait3A_546 = tpu.memref_slice %arg3[%dma_wait3A_545, %multiple_of3A_142] : memref<32x1000000xf32, #tpu.memory_space<hbm>> -> memref<32x128xf32, #tpu.memory_space<hbm>>
      tpu.wait_dma2 semaphore(%arg8 : memref<!tpu.dma_semaphore, #tpu.memory_space<semaphore_mem>>) src(%dma_wait3A_546 : memref<32x128xf32, #tpu.memory_space<hbm>>) dst(%dma_wait3A_544 : memref<32x128xf32, #tpu.memory_space<vmem>>)
      %slice3A_547 = vector.extract_strided_slice %get3A_21 {offsets = [6], sizes = [1], strides = [1]} : vector<16xi32> to vector<1xi32>
      %squeeze3A_548 = vector.extract %slice3A_547[0] : i32 from vector<1xi32>
      %and3A_549 = arith.constant 127 : i32
      %and3A_550 = arith.andi %squeeze3A_548, %and3A_549 : i32
      %broadcast_in_dim3A_551 = vector.broadcast %and3A_550 : i32 to vector<16xi32>
      %add3A_552 = arith.constant 6 : i32
      %add3A_553 = arith.addi %mul3A_338, %add3A_552 : i32
      %broadcast_in_dim3A_554 = vector.broadcast %add3A_553 : i32 to vector<16xi32>
      %gather3A_555 = arith.constant 6 : i32
      %gather3A_556 = arith.constant 0 : i32
      %gather3A_557 = arith.constant 0 : i32
      %gather3A_558 = tpu.memref_slice %arg6[%gather3A_555, %gather3A_556, %gather3A_557] : memref<16x32x128xf32, #tpu.memory_space<vmem>> -> memref<1x32x128xf32, #tpu.memory_space<vmem>>
      %gather3A_559 = tpu.memref_squeeze %gather3A_558 : memref<1x32x128xf32, #tpu.memory_space<vmem>> -> memref<32x128xf32, #tpu.memory_space<vmem>>
      %gather3A_560 = tpu.vector_load_idx %gather3A_559[%add3A_5, %broadcast_in_dim3A_551] : memref<32x128xf32, #tpu.memory_space<vmem>>[vector<16xi32>, vector<16xi32>], vector<16xf32>,
      tpu.vector_store_idx %arg7[%add3A_5, %broadcast_in_dim3A_554], %gather3A_560 : memref<32x128xf32, #tpu.memory_space<vmem>>[vector<16xi32>, vector<16xi32>], vector<16xf32>,
      %gather3A_561 = arith.constant 6 : i32
      %gather3A_562 = arith.constant 0 : i32
      %gather3A_563 = arith.constant 0 : i32
      %gather3A_564 = tpu.memref_slice %arg6[%gather3A_561, %gather3A_562, %gather3A_563] : memref<16x32x128xf32, #tpu.memory_space<vmem>> -> memref<1x32x128xf32, #tpu.memory_space<vmem>>
      %gather3A_565 = tpu.memref_squeeze %gather3A_564 : memref<1x32x128xf32, #tpu.memory_space<vmem>> -> memref<32x128xf32, #tpu.memory_space<vmem>>
      %gather3A_566 = tpu.vector_load_idx %gather3A_565[%add3A_9, %broadcast_in_dim3A_551] : memref<32x128xf32, #tpu.memory_space<vmem>>[vector<16xi32>, vector<16xi32>], vector<16xf32>,
      tpu.vector_store_idx %arg7[%add3A_9, %broadcast_in_dim3A_554], %gather3A_566 : memref<32x128xf32, #tpu.memory_space<vmem>>[vector<16xi32>, vector<16xi32>], vector<16xf32>,
      %dma_wait3A_567 = arith.constant 7 : i32
      %dma_wait3A_568 = arith.constant 0 : i32
      %dma_wait3A_569 = arith.constant 0 : i32
      %dma_wait3A_570 = tpu.memref_slice %arg6[%dma_wait3A_567, %dma_wait3A_568, %dma_wait3A_569] : memref<16x32x128xf32, #tpu.memory_space<vmem>> -> memref<1x32x128xf32, #tpu.memory_space<vmem>>
      %dma_wait3A_571 = tpu.memref_squeeze %dma_wait3A_570 : memref<1x32x128xf32, #tpu.memory_space<vmem>> -> memref<32x128xf32, #tpu.memory_space<vmem>>
      %dma_wait3A_572 = arith.constant 0 : i32
      %dma_wait3A_573 = tpu.memref_slice %arg3[%dma_wait3A_572, %multiple_of3A_162] : memref<32x1000000xf32, #tpu.memory_space<hbm>> -> memref<32x128xf32, #tpu.memory_space<hbm>>
      %dma_wait3A_574 = arith.constant 0 : i32
      %dma_wait3A_575 = arith.constant 0 : i32
      %dma_wait3A_576 = tpu.memref_slice %arg6[%dma_wait3A_567, %dma_wait3A_574, %dma_wait3A_575] : memref<16x32x128xf32, #tpu.memory_space<vmem>> -> memref<1x32x128xf32, #tpu.memory_space<vmem>>
      %dma_wait3A_577 = tpu.memref_squeeze %dma_wait3A_576 : memref<1x32x128xf32, #tpu.memory_space<vmem>> -> memref<32x128xf32, #tpu.memory_space<vmem>>
      %dma_wait3A_578 = arith.constant 0 : i32
      %dma_wait3A_579 = tpu.memref_slice %arg3[%dma_wait3A_578, %multiple_of3A_162] : memref<32x1000000xf32, #tpu.memory_space<hbm>> -> memref<32x128xf32, #tpu.memory_space<hbm>>
      tpu.wait_dma2 semaphore(%arg8 : memref<!tpu.dma_semaphore, #tpu.memory_space<semaphore_mem>>) src(%dma_wait3A_579 : memref<32x128xf32, #tpu.memory_space<hbm>>) dst(%dma_wait3A_577 : memref<32x128xf32, #tpu.memory_space<vmem>>)
      %slice3A_580 = vector.extract_strided_slice %get3A_21 {offsets = [7], sizes = [1], strides = [1]} : vector<16xi32> to vector<1xi32>
      %squeeze3A_581 = vector.extract %slice3A_580[0] : i32 from vector<1xi32>
      %and3A_582 = arith.constant 127 : i32
      %and3A_583 = arith.andi %squeeze3A_581, %and3A_582 : i32
      %broadcast_in_dim3A_584 = vector.broadcast %and3A_583 : i32 to vector<16xi32>
      %add3A_585 = arith.constant 7 : i32
      %add3A_586 = arith.addi %mul3A_338, %add3A_585 : i32
      %broadcast_in_dim3A_587 = vector.broadcast %add3A_586 : i32 to vector<16xi32>
      %gather3A_588 = arith.constant 7 : i32
      %gather3A_589 = arith.constant 0 : i32
      %gather3A_590 = arith.constant 0 : i32
      %gather3A_591 = tpu.memref_slice %arg6[%gather3A_588, %gather3A_589, %gather3A_590] : memref<16x32x128xf32, #tpu.memory_space<vmem>> -> memref<1x32x128xf32, #tpu.memory_space<vmem>>
      %gather3A_592 = tpu.memref_squeeze %gather3A_591 : memref<1x32x128xf32, #tpu.memory_space<vmem>> -> memref<32x128xf32, #tpu.memory_space<vmem>>
      %gather3A_593 = tpu.vector_load_idx %gather3A_592[%add3A_5, %broadcast_in_dim3A_584] : memref<32x128xf32, #tpu.memory_space<vmem>>[vector<16xi32>, vector<16xi32>], vector<16xf32>,
      tpu.vector_store_idx %arg7[%add3A_5, %broadcast_in_dim3A_587], %gather3A_593 : memref<32x128xf32, #tpu.memory_space<vmem>>[vector<16xi32>, vector<16xi32>], vector<16xf32>,
      %gather3A_594 = arith.constant 7 : i32
      %gather3A_595 = arith.constant 0 : i32
      %gather3A_596 = arith.constant 0 : i32
      %gather3A_597 = tpu.memref_slice %arg6[%gather3A_594, %gather3A_595, %gather3A_596] : memref<16x32x128xf32, #tpu.memory_space<vmem>> -> memref<1x32x128xf32, #tpu.memory_space<vmem>>
      %gather3A_598 = tpu.memref_squeeze %gather3A_597 : memref<1x32x128xf32, #tpu.memory_space<vmem>> -> memref<32x128xf32, #tpu.memory_space<vmem>>
      %gather3A_599 = tpu.vector_load_idx %gather3A_598[%add3A_9, %broadcast_in_dim3A_584] : memref<32x128xf32, #tpu.memory_space<vmem>>[vector<16xi32>, vector<16xi32>], vector<16xf32>,
      tpu.vector_store_idx %arg7[%add3A_9, %broadcast_in_dim3A_587], %gather3A_599 : memref<32x128xf32, #tpu.memory_space<vmem>>[vector<16xi32>, vector<16xi32>], vector<16xf32>,
      %dma_wait3A_600 = arith.constant 8 : i32
      %dma_wait3A_601 = arith.constant 0 : i32
      %dma_wait3A_602 = arith.constant 0 : i32
      %dma_wait3A_603 = tpu.memref_slice %arg6[%dma_wait3A_600, %dma_wait3A_601, %dma_wait3A_602] : memref<16x32x128xf32, #tpu.memory_space<vmem>> -> memref<1x32x128xf32, #tpu.memory_space<vmem>>
      %dma_wait3A_604 = tpu.memref_squeeze %dma_wait3A_603 : memref<1x32x128xf32, #tpu.memory_space<vmem>> -> memref<32x128xf32, #tpu.memory_space<vmem>>
      %dma_wait3A_605 = arith.constant 0 : i32
      %dma_wait3A_606 = tpu.memref_slice %arg3[%dma_wait3A_605, %multiple_of3A_182] : memref<32x1000000xf32, #tpu.memory_space<hbm>> -> memref<32x128xf32, #tpu.memory_space<hbm>>
      %dma_wait3A_607 = arith.constant 0 : i32
      %dma_wait3A_608 = arith.constant 0 : i32
      %dma_wait3A_609 = tpu.memref_slice %arg6[%dma_wait3A_600, %dma_wait3A_607, %dma_wait3A_608] : memref<16x32x128xf32, #tpu.memory_space<vmem>> -> memref<1x32x128xf32, #tpu.memory_space<vmem>>
      %dma_wait3A_610 = tpu.memref_squeeze %dma_wait3A_609 : memref<1x32x128xf32, #tpu.memory_space<vmem>> -> memref<32x128xf32, #tpu.memory_space<vmem>>
      %dma_wait3A_611 = arith.constant 0 : i32
      %dma_wait3A_612 = tpu.memref_slice %arg3[%dma_wait3A_611, %multiple_of3A_182] : memref<32x1000000xf32, #tpu.memory_space<hbm>> -> memref<32x128xf32, #tpu.memory_space<hbm>>
      tpu.wait_dma2 semaphore(%arg8 : memref<!tpu.dma_semaphore, #tpu.memory_space<semaphore_mem>>) src(%dma_wait3A_612 : memref<32x128xf32, #tpu.memory_space<hbm>>) dst(%dma_wait3A_610 : memref<32x128xf32, #tpu.memory_space<vmem>>)
      %slice3A_613 = vector.extract_strided_slice %get3A_21 {offsets = [8], sizes = [1], strides = [1]} : vector<16xi32> to vector<1xi32>
      %squeeze3A_614 = vector.extract %slice3A_613[0] : i32 from vector<1xi32>
      %and3A_615 = arith.constant 127 : i32
      %and3A_616 = arith.andi %squeeze3A_614, %and3A_615 : i32
      %broadcast_in_dim3A_617 = vector.broadcast %and3A_616 : i32 to vector<16xi32>
      %add3A_618 = arith.constant 8 : i32
      %add3A_619 = arith.addi %mul3A_338, %add3A_618 : i32
      %broadcast_in_dim3A_620 = vector.broadcast %add3A_619 : i32 to vector<16xi32>
      %gather3A_621 = arith.constant 8 : i32
      %gather3A_622 = arith.constant 0 : i32
      %gather3A_623 = arith.constant 0 : i32
      %gather3A_624 = tpu.memref_slice %arg6[%gather3A_621, %gather3A_622, %gather3A_623] : memref<16x32x128xf32, #tpu.memory_space<vmem>> -> memref<1x32x128xf32, #tpu.memory_space<vmem>>
      %gather3A_625 = tpu.memref_squeeze %gather3A_624 : memref<1x32x128xf32, #tpu.memory_space<vmem>> -> memref<32x128xf32, #tpu.memory_space<vmem>>
      %gather3A_626 = tpu.vector_load_idx %gather3A_625[%add3A_5, %broadcast_in_dim3A_617] : memref<32x128xf32, #tpu.memory_space<vmem>>[vector<16xi32>, vector<16xi32>], vector<16xf32>,
      tpu.vector_store_idx %arg7[%add3A_5, %broadcast_in_dim3A_620], %gather3A_626 : memref<32x128xf32, #tpu.memory_space<vmem>>[vector<16xi32>, vector<16xi32>], vector<16xf32>,
      %gather3A_627 = arith.constant 8 : i32
      %gather3A_628 = arith.constant 0 : i32
      %gather3A_629 = arith.constant 0 : i32
      %gather3A_630 = tpu.memref_slice %arg6[%gather3A_627, %gather3A_628, %gather3A_629] : memref<16x32x128xf32, #tpu.memory_space<vmem>> -> memref<1x32x128xf32, #tpu.memory_space<vmem>>
      %gather3A_631 = tpu.memref_squeeze %gather3A_630 : memref<1x32x128xf32, #tpu.memory_space<vmem>> -> memref<32x128xf32, #tpu.memory_space<vmem>>
      %gather3A_632 = tpu.vector_load_idx %gather3A_631[%add3A_9, %broadcast_in_dim3A_617] : memref<32x128xf32, #tpu.memory_space<vmem>>[vector<16xi32>, vector<16xi32>], vector<16xf32>,
      tpu.vector_store_idx %arg7[%add3A_9, %broadcast_in_dim3A_620], %gather3A_632 : memref<32x128xf32, #tpu.memory_space<vmem>>[vector<16xi32>, vector<16xi32>], vector<16xf32>,
      %dma_wait3A_633 = arith.constant 9 : i32
      %dma_wait3A_634 = arith.constant 0 : i32
      %dma_wait3A_635 = arith.constant 0 : i32
      %dma_wait3A_636 = tpu.memref_slice %arg6[%dma_wait3A_633, %dma_wait3A_634, %dma_wait3A_635] : memref<16x32x128xf32, #tpu.memory_space<vmem>> -> memref<1x32x128xf32, #tpu.memory_space<vmem>>
      %dma_wait3A_637 = tpu.memref_squeeze %dma_wait3A_636 : memref<1x32x128xf32, #tpu.memory_space<vmem>> -> memref<32x128xf32, #tpu.memory_space<vmem>>
      %dma_wait3A_638 = arith.constant 0 : i32
      %dma_wait3A_639 = tpu.memref_slice %arg3[%dma_wait3A_638, %multiple_of3A_202] : memref<32x1000000xf32, #tpu.memory_space<hbm>> -> memref<32x128xf32, #tpu.memory_space<hbm>>
      %dma_wait3A_640 = arith.constant 0 : i32
      %dma_wait3A_641 = arith.constant 0 : i32
      %dma_wait3A_642 = tpu.memref_slice %arg6[%dma_wait3A_633, %dma_wait3A_640, %dma_wait3A_641] : memref<16x32x128xf32, #tpu.memory_space<vmem>> -> memref<1x32x128xf32, #tpu.memory_space<vmem>>
      %dma_wait3A_643 = tpu.memref_squeeze %dma_wait3A_642 : memref<1x32x128xf32, #tpu.memory_space<vmem>> -> memref<32x128xf32, #tpu.memory_space<vmem>>
      %dma_wait3A_644 = arith.constant 0 : i32
      %dma_wait3A_645 = tpu.memref_slice %arg3[%dma_wait3A_644, %multiple_of3A_202] : memref<32x1000000xf32, #tpu.memory_space<hbm>> -> memref<32x128xf32, #tpu.memory_space<hbm>>
      tpu.wait_dma2 semaphore(%arg8 : memref<!tpu.dma_semaphore, #tpu.memory_space<semaphore_mem>>) src(%dma_wait3A_645 : memref<32x128xf32, #tpu.memory_space<hbm>>) dst(%dma_wait3A_643 : memref<32x128xf32, #tpu.memory_space<vmem>>)
      %slice3A_646 = vector.extract_strided_slice %get3A_21 {offsets = [9], sizes = [1], strides = [1]} : vector<16xi32> to vector<1xi32>
      %squeeze3A_647 = vector.extract %slice3A_646[0] : i32 from vector<1xi32>
      %and3A_648 = arith.constant 127 : i32
      %and3A_649 = arith.andi %squeeze3A_647, %and3A_648 : i32
      %broadcast_in_dim3A_650 = vector.broadcast %and3A_649 : i32 to vector<16xi32>
      %add3A_651 = arith.constant 9 : i32
      %add3A_652 = arith.addi %mul3A_338, %add3A_651 : i32
      %broadcast_in_dim3A_653 = vector.broadcast %add3A_652 : i32 to vector<16xi32>
      %gather3A_654 = arith.constant 9 : i32
      %gather3A_655 = arith.constant 0 : i32
      %gather3A_656 = arith.constant 0 : i32
      %gather3A_657 = tpu.memref_slice %arg6[%gather3A_654, %gather3A_655, %gather3A_656] : memref<16x32x128xf32, #tpu.memory_space<vmem>> -> memref<1x32x128xf32, #tpu.memory_space<vmem>>
      %gather3A_658 = tpu.memref_squeeze %gather3A_657 : memref<1x32x128xf32, #tpu.memory_space<vmem>> -> memref<32x128xf32, #tpu.memory_space<vmem>>
      %gather3A_659 = tpu.vector_load_idx %gather3A_658[%add3A_5, %broadcast_in_dim3A_650] : memref<32x128xf32, #tpu.memory_space<vmem>>[vector<16xi32>, vector<16xi32>], vector<16xf32>,
      tpu.vector_store_idx %arg7[%add3A_5, %broadcast_in_dim3A_653], %gather3A_659 : memref<32x128xf32, #tpu.memory_space<vmem>>[vector<16xi32>, vector<16xi32>], vector<16xf32>,
      %gather3A_660 = arith.constant 9 : i32
      %gather3A_661 = arith.constant 0 : i32
      %gather3A_662 = arith.constant 0 : i32
      %gather3A_663 = tpu.memref_slice %arg6[%gather3A_660, %gather3A_661, %gather3A_662] : memref<16x32x128xf32, #tpu.memory_space<vmem>> -> memref<1x32x128xf32, #tpu.memory_space<vmem>>
      %gather3A_664 = tpu.memref_squeeze %gather3A_663 : memref<1x32x128xf32, #tpu.memory_space<vmem>> -> memref<32x128xf32, #tpu.memory_space<vmem>>
      %gather3A_665 = tpu.vector_load_idx %gather3A_664[%add3A_9, %broadcast_in_dim3A_650] : memref<32x128xf32, #tpu.memory_space<vmem>>[vector<16xi32>, vector<16xi32>], vector<16xf32>,
      tpu.vector_store_idx %arg7[%add3A_9, %broadcast_in_dim3A_653], %gather3A_665 : memref<32x128xf32, #tpu.memory_space<vmem>>[vector<16xi32>, vector<16xi32>], vector<16xf32>,
      %dma_wait3A_666 = arith.constant 10 : i32
      %dma_wait3A_667 = arith.constant 0 : i32
      %dma_wait3A_668 = arith.constant 0 : i32
      %dma_wait3A_669 = tpu.memref_slice %arg6[%dma_wait3A_666, %dma_wait3A_667, %dma_wait3A_668] : memref<16x32x128xf32, #tpu.memory_space<vmem>> -> memref<1x32x128xf32, #tpu.memory_space<vmem>>
      %dma_wait3A_670 = tpu.memref_squeeze %dma_wait3A_669 : memref<1x32x128xf32, #tpu.memory_space<vmem>> -> memref<32x128xf32, #tpu.memory_space<vmem>>
      %dma_wait3A_671 = arith.constant 0 : i32
      %dma_wait3A_672 = tpu.memref_slice %arg3[%dma_wait3A_671, %multiple_of3A_222] : memref<32x1000000xf32, #tpu.memory_space<hbm>> -> memref<32x128xf32, #tpu.memory_space<hbm>>
      %dma_wait3A_673 = arith.constant 0 : i32
      %dma_wait3A_674 = arith.constant 0 : i32
      %dma_wait3A_675 = tpu.memref_slice %arg6[%dma_wait3A_666, %dma_wait3A_673, %dma_wait3A_674] : memref<16x32x128xf32, #tpu.memory_space<vmem>> -> memref<1x32x128xf32, #tpu.memory_space<vmem>>
      %dma_wait3A_676 = tpu.memref_squeeze %dma_wait3A_675 : memref<1x32x128xf32, #tpu.memory_space<vmem>> -> memref<32x128xf32, #tpu.memory_space<vmem>>
      %dma_wait3A_677 = arith.constant 0 : i32
      %dma_wait3A_678 = tpu.memref_slice %arg3[%dma_wait3A_677, %multiple_of3A_222] : memref<32x1000000xf32, #tpu.memory_space<hbm>> -> memref<32x128xf32, #tpu.memory_space<hbm>>
      tpu.wait_dma2 semaphore(%arg8 : memref<!tpu.dma_semaphore, #tpu.memory_space<semaphore_mem>>) src(%dma_wait3A_678 : memref<32x128xf32, #tpu.memory_space<hbm>>) dst(%dma_wait3A_676 : memref<32x128xf32, #tpu.memory_space<vmem>>)
      %slice3A_679 = vector.extract_strided_slice %get3A_21 {offsets = [10], sizes = [1], strides = [1]} : vector<16xi32> to vector<1xi32>
      %squeeze3A_680 = vector.extract %slice3A_679[0] : i32 from vector<1xi32>
      %and3A_681 = arith.constant 127 : i32
      %and3A_682 = arith.andi %squeeze3A_680, %and3A_681 : i32
      %broadcast_in_dim3A_683 = vector.broadcast %and3A_682 : i32 to vector<16xi32>
      %add3A_684 = arith.constant 10 : i32
      %add3A_685 = arith.addi %mul3A_338, %add3A_684 : i32
      %broadcast_in_dim3A_686 = vector.broadcast %add3A_685 : i32 to vector<16xi32>
      %gather3A_687 = arith.constant 10 : i32
      %gather3A_688 = arith.constant 0 : i32
      %gather3A_689 = arith.constant 0 : i32
      %gather3A_690 = tpu.memref_slice %arg6[%gather3A_687, %gather3A_688, %gather3A_689] : memref<16x32x128xf32, #tpu.memory_space<vmem>> -> memref<1x32x128xf32, #tpu.memory_space<vmem>>
      %gather3A_691 = tpu.memref_squeeze %gather3A_690 : memref<1x32x128xf32, #tpu.memory_space<vmem>> -> memref<32x128xf32, #tpu.memory_space<vmem>>
      %gather3A_692 = tpu.vector_load_idx %gather3A_691[%add3A_5, %broadcast_in_dim3A_683] : memref<32x128xf32, #tpu.memory_space<vmem>>[vector<16xi32>, vector<16xi32>], vector<16xf32>,
      tpu.vector_store_idx %arg7[%add3A_5, %broadcast_in_dim3A_686], %gather3A_692 : memref<32x128xf32, #tpu.memory_space<vmem>>[vector<16xi32>, vector<16xi32>], vector<16xf32>,
      %gather3A_693 = arith.constant 10 : i32
      %gather3A_694 = arith.constant 0 : i32
      %gather3A_695 = arith.constant 0 : i32
      %gather3A_696 = tpu.memref_slice %arg6[%gather3A_693, %gather3A_694, %gather3A_695] : memref<16x32x128xf32, #tpu.memory_space<vmem>> -> memref<1x32x128xf32, #tpu.memory_space<vmem>>
      %gather3A_697 = tpu.memref_squeeze %gather3A_696 : memref<1x32x128xf32, #tpu.memory_space<vmem>> -> memref<32x128xf32, #tpu.memory_space<vmem>>
      %gather3A_698 = tpu.vector_load_idx %gather3A_697[%add3A_9, %broadcast_in_dim3A_683] : memref<32x128xf32, #tpu.memory_space<vmem>>[vector<16xi32>, vector<16xi32>], vector<16xf32>,
      tpu.vector_store_idx %arg7[%add3A_9, %broadcast_in_dim3A_686], %gather3A_698 : memref<32x128xf32, #tpu.memory_space<vmem>>[vector<16xi32>, vector<16xi32>], vector<16xf32>,
      %dma_wait3A_699 = arith.constant 11 : i32
      %dma_wait3A_700 = arith.constant 0 : i32
      %dma_wait3A_701 = arith.constant 0 : i32
      %dma_wait3A_702 = tpu.memref_slice %arg6[%dma_wait3A_699, %dma_wait3A_700, %dma_wait3A_701] : memref<16x32x128xf32, #tpu.memory_space<vmem>> -> memref<1x32x128xf32, #tpu.memory_space<vmem>>
      %dma_wait3A_703 = tpu.memref_squeeze %dma_wait3A_702 : memref<1x32x128xf32, #tpu.memory_space<vmem>> -> memref<32x128xf32, #tpu.memory_space<vmem>>
      %dma_wait3A_704 = arith.constant 0 : i32
      %dma_wait3A_705 = tpu.memref_slice %arg3[%dma_wait3A_704, %multiple_of3A_242] : memref<32x1000000xf32, #tpu.memory_space<hbm>> -> memref<32x128xf32, #tpu.memory_space<hbm>>
      %dma_wait3A_706 = arith.constant 0 : i32
      %dma_wait3A_707 = arith.constant 0 : i32
      %dma_wait3A_708 = tpu.memref_slice %arg6[%dma_wait3A_699, %dma_wait3A_706, %dma_wait3A_707] : memref<16x32x128xf32, #tpu.memory_space<vmem>> -> memref<1x32x128xf32, #tpu.memory_space<vmem>>
      %dma_wait3A_709 = tpu.memref_squeeze %dma_wait3A_708 : memref<1x32x128xf32, #tpu.memory_space<vmem>> -> memref<32x128xf32, #tpu.memory_space<vmem>>
      %dma_wait3A_710 = arith.constant 0 : i32
      %dma_wait3A_711 = tpu.memref_slice %arg3[%dma_wait3A_710, %multiple_of3A_242] : memref<32x1000000xf32, #tpu.memory_space<hbm>> -> memref<32x128xf32, #tpu.memory_space<hbm>>
      tpu.wait_dma2 semaphore(%arg8 : memref<!tpu.dma_semaphore, #tpu.memory_space<semaphore_mem>>) src(%dma_wait3A_711 : memref<32x128xf32, #tpu.memory_space<hbm>>) dst(%dma_wait3A_709 : memref<32x128xf32, #tpu.memory_space<vmem>>)
      %slice3A_712 = vector.extract_strided_slice %get3A_21 {offsets = [11], sizes = [1], strides = [1]} : vector<16xi32> to vector<1xi32>
      %squeeze3A_713 = vector.extract %slice3A_712[0] : i32 from vector<1xi32>
      %and3A_714 = arith.constant 127 : i32
      %and3A_715 = arith.andi %squeeze3A_713, %and3A_714 : i32
      %broadcast_in_dim3A_716 = vector.broadcast %and3A_715 : i32 to vector<16xi32>
      %add3A_717 = arith.constant 11 : i32
      %add3A_718 = arith.addi %mul3A_338, %add3A_717 : i32
      %broadcast_in_dim3A_719 = vector.broadcast %add3A_718 : i32 to vector<16xi32>
      %gather3A_720 = arith.constant 11 : i32
      %gather3A_721 = arith.constant 0 : i32
      %gather3A_722 = arith.constant 0 : i32
      %gather3A_723 = tpu.memref_slice %arg6[%gather3A_720, %gather3A_721, %gather3A_722] : memref<16x32x128xf32, #tpu.memory_space<vmem>> -> memref<1x32x128xf32, #tpu.memory_space<vmem>>
      %gather3A_724 = tpu.memref_squeeze %gather3A_723 : memref<1x32x128xf32, #tpu.memory_space<vmem>> -> memref<32x128xf32, #tpu.memory_space<vmem>>
      %gather3A_725 = tpu.vector_load_idx %gather3A_724[%add3A_5, %broadcast_in_dim3A_716] : memref<32x128xf32, #tpu.memory_space<vmem>>[vector<16xi32>, vector<16xi32>], vector<16xf32>,
      tpu.vector_store_idx %arg7[%add3A_5, %broadcast_in_dim3A_719], %gather3A_725 : memref<32x128xf32, #tpu.memory_space<vmem>>[vector<16xi32>, vector<16xi32>], vector<16xf32>,
      %gather3A_726 = arith.constant 11 : i32
      %gather3A_727 = arith.constant 0 : i32
      %gather3A_728 = arith.constant 0 : i32
      %gather3A_729 = tpu.memref_slice %arg6[%gather3A_726, %gather3A_727, %gather3A_728] : memref<16x32x128xf32, #tpu.memory_space<vmem>> -> memref<1x32x128xf32, #tpu.memory_space<vmem>>
      %gather3A_730 = tpu.memref_squeeze %gather3A_729 : memref<1x32x128xf32, #tpu.memory_space<vmem>> -> memref<32x128xf32, #tpu.memory_space<vmem>>
      %gather3A_731 = tpu.vector_load_idx %gather3A_730[%add3A_9, %broadcast_in_dim3A_716] : memref<32x128xf32, #tpu.memory_space<vmem>>[vector<16xi32>, vector<16xi32>], vector<16xf32>,
      tpu.vector_store_idx %arg7[%add3A_9, %broadcast_in_dim3A_719], %gather3A_731 : memref<32x128xf32, #tpu.memory_space<vmem>>[vector<16xi32>, vector<16xi32>], vector<16xf32>,
      %dma_wait3A_732 = arith.constant 12 : i32
      %dma_wait3A_733 = arith.constant 0 : i32
      %dma_wait3A_734 = arith.constant 0 : i32
      %dma_wait3A_735 = tpu.memref_slice %arg6[%dma_wait3A_732, %dma_wait3A_733, %dma_wait3A_734] : memref<16x32x128xf32, #tpu.memory_space<vmem>> -> memref<1x32x128xf32, #tpu.memory_space<vmem>>
      %dma_wait3A_736 = tpu.memref_squeeze %dma_wait3A_735 : memref<1x32x128xf32, #tpu.memory_space<vmem>> -> memref<32x128xf32, #tpu.memory_space<vmem>>
      %dma_wait3A_737 = arith.constant 0 : i32
      %dma_wait3A_738 = tpu.memref_slice %arg3[%dma_wait3A_737, %multiple_of3A_262] : memref<32x1000000xf32, #tpu.memory_space<hbm>> -> memref<32x128xf32, #tpu.memory_space<hbm>>
      %dma_wait3A_739 = arith.constant 0 : i32
      %dma_wait3A_740 = arith.constant 0 : i32
      %dma_wait3A_741 = tpu.memref_slice %arg6[%dma_wait3A_732, %dma_wait3A_739, %dma_wait3A_740] : memref<16x32x128xf32, #tpu.memory_space<vmem>> -> memref<1x32x128xf32, #tpu.memory_space<vmem>>
      %dma_wait3A_742 = tpu.memref_squeeze %dma_wait3A_741 : memref<1x32x128xf32, #tpu.memory_space<vmem>> -> memref<32x128xf32, #tpu.memory_space<vmem>>
      %dma_wait3A_743 = arith.constant 0 : i32
      %dma_wait3A_744 = tpu.memref_slice %arg3[%dma_wait3A_743, %multiple_of3A_262] : memref<32x1000000xf32, #tpu.memory_space<hbm>> -> memref<32x128xf32, #tpu.memory_space<hbm>>
      tpu.wait_dma2 semaphore(%arg8 : memref<!tpu.dma_semaphore, #tpu.memory_space<semaphore_mem>>) src(%dma_wait3A_744 : memref<32x128xf32, #tpu.memory_space<hbm>>) dst(%dma_wait3A_742 : memref<32x128xf32, #tpu.memory_space<vmem>>)
      %slice3A_745 = vector.extract_strided_slice %get3A_21 {offsets = [12], sizes = [1], strides = [1]} : vector<16xi32> to vector<1xi32>
      %squeeze3A_746 = vector.extract %slice3A_745[0] : i32 from vector<1xi32>
      %and3A_747 = arith.constant 127 : i32
      %and3A_748 = arith.andi %squeeze3A_746, %and3A_747 : i32
      %broadcast_in_dim3A_749 = vector.broadcast %and3A_748 : i32 to vector<16xi32>
      %add3A_750 = arith.constant 12 : i32
      %add3A_751 = arith.addi %mul3A_338, %add3A_750 : i32
      %broadcast_in_dim3A_752 = vector.broadcast %add3A_751 : i32 to vector<16xi32>
      %gather3A_753 = arith.constant 12 : i32
      %gather3A_754 = arith.constant 0 : i32
      %gather3A_755 = arith.constant 0 : i32
      %gather3A_756 = tpu.memref_slice %arg6[%gather3A_753, %gather3A_754, %gather3A_755] : memref<16x32x128xf32, #tpu.memory_space<vmem>> -> memref<1x32x128xf32, #tpu.memory_space<vmem>>
      %gather3A_757 = tpu.memref_squeeze %gather3A_756 : memref<1x32x128xf32, #tpu.memory_space<vmem>> -> memref<32x128xf32, #tpu.memory_space<vmem>>
      %gather3A_758 = tpu.vector_load_idx %gather3A_757[%add3A_5, %broadcast_in_dim3A_749] : memref<32x128xf32, #tpu.memory_space<vmem>>[vector<16xi32>, vector<16xi32>], vector<16xf32>,
      tpu.vector_store_idx %arg7[%add3A_5, %broadcast_in_dim3A_752], %gather3A_758 : memref<32x128xf32, #tpu.memory_space<vmem>>[vector<16xi32>, vector<16xi32>], vector<16xf32>,
      %gather3A_759 = arith.constant 12 : i32
      %gather3A_760 = arith.constant 0 : i32
      %gather3A_761 = arith.constant 0 : i32
      %gather3A_762 = tpu.memref_slice %arg6[%gather3A_759, %gather3A_760, %gather3A_761] : memref<16x32x128xf32, #tpu.memory_space<vmem>> -> memref<1x32x128xf32, #tpu.memory_space<vmem>>
      %gather3A_763 = tpu.memref_squeeze %gather3A_762 : memref<1x32x128xf32, #tpu.memory_space<vmem>> -> memref<32x128xf32, #tpu.memory_space<vmem>>
      %gather3A_764 = tpu.vector_load_idx %gather3A_763[%add3A_9, %broadcast_in_dim3A_749] : memref<32x128xf32, #tpu.memory_space<vmem>>[vector<16xi32>, vector<16xi32>], vector<16xf32>,
      tpu.vector_store_idx %arg7[%add3A_9, %broadcast_in_dim3A_752], %gather3A_764 : memref<32x128xf32, #tpu.memory_space<vmem>>[vector<16xi32>, vector<16xi32>], vector<16xf32>,
      %dma_wait3A_765 = arith.constant 13 : i32
      %dma_wait3A_766 = arith.constant 0 : i32
      %dma_wait3A_767 = arith.constant 0 : i32
      %dma_wait3A_768 = tpu.memref_slice %arg6[%dma_wait3A_765, %dma_wait3A_766, %dma_wait3A_767] : memref<16x32x128xf32, #tpu.memory_space<vmem>> -> memref<1x32x128xf32, #tpu.memory_space<vmem>>
      %dma_wait3A_769 = tpu.memref_squeeze %dma_wait3A_768 : memref<1x32x128xf32, #tpu.memory_space<vmem>> -> memref<32x128xf32, #tpu.memory_space<vmem>>
      %dma_wait3A_770 = arith.constant 0 : i32
      %dma_wait3A_771 = tpu.memref_slice %arg3[%dma_wait3A_770, %multiple_of3A_282] : memref<32x1000000xf32, #tpu.memory_space<hbm>> -> memref<32x128xf32, #tpu.memory_space<hbm>>
      %dma_wait3A_772 = arith.constant 0 : i32
      %dma_wait3A_773 = arith.constant 0 : i32
      %dma_wait3A_774 = tpu.memref_slice %arg6[%dma_wait3A_765, %dma_wait3A_772, %dma_wait3A_773] : memref<16x32x128xf32, #tpu.memory_space<vmem>> -> memref<1x32x128xf32, #tpu.memory_space<vmem>>
      %dma_wait3A_775 = tpu.memref_squeeze %dma_wait3A_774 : memref<1x32x128xf32, #tpu.memory_space<vmem>> -> memref<32x128xf32, #tpu.memory_space<vmem>>
      %dma_wait3A_776 = arith.constant 0 : i32
      %dma_wait3A_777 = tpu.memref_slice %arg3[%dma_wait3A_776, %multiple_of3A_282] : memref<32x1000000xf32, #tpu.memory_space<hbm>> -> memref<32x128xf32, #tpu.memory_space<hbm>>
      tpu.wait_dma2 semaphore(%arg8 : memref<!tpu.dma_semaphore, #tpu.memory_space<semaphore_mem>>) src(%dma_wait3A_777 : memref<32x128xf32, #tpu.memory_space<hbm>>) dst(%dma_wait3A_775 : memref<32x128xf32, #tpu.memory_space<vmem>>)
      %slice3A_778 = vector.extract_strided_slice %get3A_21 {offsets = [13], sizes = [1], strides = [1]} : vector<16xi32> to vector<1xi32>
      %squeeze3A_779 = vector.extract %slice3A_778[0] : i32 from vector<1xi32>
      %and3A_780 = arith.constant 127 : i32
      %and3A_781 = arith.andi %squeeze3A_779, %and3A_780 : i32
      %broadcast_in_dim3A_782 = vector.broadcast %and3A_781 : i32 to vector<16xi32>
      %add3A_783 = arith.constant 13 : i32
      %add3A_784 = arith.addi %mul3A_338, %add3A_783 : i32
      %broadcast_in_dim3A_785 = vector.broadcast %add3A_784 : i32 to vector<16xi32>
      %gather3A_786 = arith.constant 13 : i32
      %gather3A_787 = arith.constant 0 : i32
      %gather3A_788 = arith.constant 0 : i32
      %gather3A_789 = tpu.memref_slice %arg6[%gather3A_786, %gather3A_787, %gather3A_788] : memref<16x32x128xf32, #tpu.memory_space<vmem>> -> memref<1x32x128xf32, #tpu.memory_space<vmem>>
      %gather3A_790 = tpu.memref_squeeze %gather3A_789 : memref<1x32x128xf32, #tpu.memory_space<vmem>> -> memref<32x128xf32, #tpu.memory_space<vmem>>
      %gather3A_791 = tpu.vector_load_idx %gather3A_790[%add3A_5, %broadcast_in_dim3A_782] : memref<32x128xf32, #tpu.memory_space<vmem>>[vector<16xi32>, vector<16xi32>], vector<16xf32>,
      tpu.vector_store_idx %arg7[%add3A_5, %broadcast_in_dim3A_785], %gather3A_791 : memref<32x128xf32, #tpu.memory_space<vmem>>[vector<16xi32>, vector<16xi32>], vector<16xf32>,
      %gather3A_792 = arith.constant 13 : i32
      %gather3A_793 = arith.constant 0 : i32
      %gather3A_794 = arith.constant 0 : i32
      %gather3A_795 = tpu.memref_slice %arg6[%gather3A_792, %gather3A_793, %gather3A_794] : memref<16x32x128xf32, #tpu.memory_space<vmem>> -> memref<1x32x128xf32, #tpu.memory_space<vmem>>
      %gather3A_796 = tpu.memref_squeeze %gather3A_795 : memref<1x32x128xf32, #tpu.memory_space<vmem>> -> memref<32x128xf32, #tpu.memory_space<vmem>>
      %gather3A_797 = tpu.vector_load_idx %gather3A_796[%add3A_9, %broadcast_in_dim3A_782] : memref<32x128xf32, #tpu.memory_space<vmem>>[vector<16xi32>, vector<16xi32>], vector<16xf32>,
      tpu.vector_store_idx %arg7[%add3A_9, %broadcast_in_dim3A_785], %gather3A_797 : memref<32x128xf32, #tpu.memory_space<vmem>>[vector<16xi32>, vector<16xi32>], vector<16xf32>,
      %dma_wait3A_798 = arith.constant 14 : i32
      %dma_wait3A_799 = arith.constant 0 : i32
      %dma_wait3A_800 = arith.constant 0 : i32
      %dma_wait3A_801 = tpu.memref_slice %arg6[%dma_wait3A_798, %dma_wait3A_799, %dma_wait3A_800] : memref<16x32x128xf32, #tpu.memory_space<vmem>> -> memref<1x32x128xf32, #tpu.memory_space<vmem>>
      %dma_wait3A_802 = tpu.memref_squeeze %dma_wait3A_801 : memref<1x32x128xf32, #tpu.memory_space<vmem>> -> memref<32x128xf32, #tpu.memory_space<vmem>>
      %dma_wait3A_803 = arith.constant 0 : i32
      %dma_wait3A_804 = tpu.memref_slice %arg3[%dma_wait3A_803, %multiple_of3A_302] : memref<32x1000000xf32, #tpu.memory_space<hbm>> -> memref<32x128xf32, #tpu.memory_space<hbm>>
      %dma_wait3A_805 = arith.constant 0 : i32
      %dma_wait3A_806 = arith.constant 0 : i32
      %dma_wait3A_807 = tpu.memref_slice %arg6[%dma_wait3A_798, %dma_wait3A_805, %dma_wait3A_806] : memref<16x32x128xf32, #tpu.memory_space<vmem>> -> memref<1x32x128xf32, #tpu.memory_space<vmem>>
      %dma_wait3A_808 = tpu.memref_squeeze %dma_wait3A_807 : memref<1x32x128xf32, #tpu.memory_space<vmem>> -> memref<32x128xf32, #tpu.memory_space<vmem>>
      %dma_wait3A_809 = arith.constant 0 : i32
      %dma_wait3A_810 = tpu.memref_slice %arg3[%dma_wait3A_809, %multiple_of3A_302] : memref<32x1000000xf32, #tpu.memory_space<hbm>> -> memref<32x128xf32, #tpu.memory_space<hbm>>
      tpu.wait_dma2 semaphore(%arg8 : memref<!tpu.dma_semaphore, #tpu.memory_space<semaphore_mem>>) src(%dma_wait3A_810 : memref<32x128xf32, #tpu.memory_space<hbm>>) dst(%dma_wait3A_808 : memref<32x128xf32, #tpu.memory_space<vmem>>)
      %slice3A_811 = vector.extract_strided_slice %get3A_21 {offsets = [14], sizes = [1], strides = [1]} : vector<16xi32> to vector<1xi32>
      %squeeze3A_812 = vector.extract %slice3A_811[0] : i32 from vector<1xi32>
      %and3A_813 = arith.constant 127 : i32
      %and3A_814 = arith.andi %squeeze3A_812, %and3A_813 : i32
      %broadcast_in_dim3A_815 = vector.broadcast %and3A_814 : i32 to vector<16xi32>
      %add3A_816 = arith.constant 14 : i32
      %add3A_817 = arith.addi %mul3A_338, %add3A_816 : i32
      %broadcast_in_dim3A_818 = vector.broadcast %add3A_817 : i32 to vector<16xi32>
      %gather3A_819 = arith.constant 14 : i32
      %gather3A_820 = arith.constant 0 : i32
      %gather3A_821 = arith.constant 0 : i32
      %gather3A_822 = tpu.memref_slice %arg6[%gather3A_819, %gather3A_820, %gather3A_821] : memref<16x32x128xf32, #tpu.memory_space<vmem>> -> memref<1x32x128xf32, #tpu.memory_space<vmem>>
      %gather3A_823 = tpu.memref_squeeze %gather3A_822 : memref<1x32x128xf32, #tpu.memory_space<vmem>> -> memref<32x128xf32, #tpu.memory_space<vmem>>
      %gather3A_824 = tpu.vector_load_idx %gather3A_823[%add3A_5, %broadcast_in_dim3A_815] : memref<32x128xf32, #tpu.memory_space<vmem>>[vector<16xi32>, vector<16xi32>], vector<16xf32>,
      tpu.vector_store_idx %arg7[%add3A_5, %broadcast_in_dim3A_818], %gather3A_824 : memref<32x128xf32, #tpu.memory_space<vmem>>[vector<16xi32>, vector<16xi32>], vector<16xf32>,
      %gather3A_825 = arith.constant 14 : i32
      %gather3A_826 = arith.constant 0 : i32
      %gather3A_827 = arith.constant 0 : i32
      %gather3A_828 = tpu.memref_slice %arg6[%gather3A_825, %gather3A_826, %gather3A_827] : memref<16x32x128xf32, #tpu.memory_space<vmem>> -> memref<1x32x128xf32, #tpu.memory_space<vmem>>
      %gather3A_829 = tpu.memref_squeeze %gather3A_828 : memref<1x32x128xf32, #tpu.memory_space<vmem>> -> memref<32x128xf32, #tpu.memory_space<vmem>>
      %gather3A_830 = tpu.vector_load_idx %gather3A_829[%add3A_9, %broadcast_in_dim3A_815] : memref<32x128xf32, #tpu.memory_space<vmem>>[vector<16xi32>, vector<16xi32>], vector<16xf32>,
      tpu.vector_store_idx %arg7[%add3A_9, %broadcast_in_dim3A_818], %gather3A_830 : memref<32x128xf32, #tpu.memory_space<vmem>>[vector<16xi32>, vector<16xi32>], vector<16xf32>,
      %dma_wait3A_831 = arith.constant 15 : i32
      %dma_wait3A_832 = arith.constant 0 : i32
      %dma_wait3A_833 = arith.constant 0 : i32
      %dma_wait3A_834 = tpu.memref_slice %arg6[%dma_wait3A_831, %dma_wait3A_832, %dma_wait3A_833] : memref<16x32x128xf32, #tpu.memory_space<vmem>> -> memref<1x32x128xf32, #tpu.memory_space<vmem>>
      %dma_wait3A_835 = tpu.memref_squeeze %dma_wait3A_834 : memref<1x32x128xf32, #tpu.memory_space<vmem>> -> memref<32x128xf32, #tpu.memory_space<vmem>>
      %dma_wait3A_836 = arith.constant 0 : i32
      %dma_wait3A_837 = tpu.memref_slice %arg3[%dma_wait3A_836, %multiple_of3A_322] : memref<32x1000000xf32, #tpu.memory_space<hbm>> -> memref<32x128xf32, #tpu.memory_space<hbm>>
      %dma_wait3A_838 = arith.constant 0 : i32
      %dma_wait3A_839 = arith.constant 0 : i32
      %dma_wait3A_840 = tpu.memref_slice %arg6[%dma_wait3A_831, %dma_wait3A_838, %dma_wait3A_839] : memref<16x32x128xf32, #tpu.memory_space<vmem>> -> memref<1x32x128xf32, #tpu.memory_space<vmem>>
      %dma_wait3A_841 = tpu.memref_squeeze %dma_wait3A_840 : memref<1x32x128xf32, #tpu.memory_space<vmem>> -> memref<32x128xf32, #tpu.memory_space<vmem>>
      %dma_wait3A_842 = arith.constant 0 : i32
      %dma_wait3A_843 = tpu.memref_slice %arg3[%dma_wait3A_842, %multiple_of3A_322] : memref<32x1000000xf32, #tpu.memory_space<hbm>> -> memref<32x128xf32, #tpu.memory_space<hbm>>
      tpu.wait_dma2 semaphore(%arg8 : memref<!tpu.dma_semaphore, #tpu.memory_space<semaphore_mem>>) src(%dma_wait3A_843 : memref<32x128xf32, #tpu.memory_space<hbm>>) dst(%dma_wait3A_841 : memref<32x128xf32, #tpu.memory_space<vmem>>)
      %slice3A_844 = vector.extract_strided_slice %get3A_21 {offsets = [15], sizes = [1], strides = [1]} : vector<16xi32> to vector<1xi32>
      %squeeze3A_845 = vector.extract %slice3A_844[0] : i32 from vector<1xi32>
      %and3A_846 = arith.constant 127 : i32
      %and3A_847 = arith.andi %squeeze3A_845, %and3A_846 : i32
      %broadcast_in_dim3A_848 = vector.broadcast %and3A_847 : i32 to vector<16xi32>
      %add3A_849 = arith.constant 15 : i32
      %add3A_850 = arith.addi %mul3A_338, %add3A_849 : i32
      %broadcast_in_dim3A_851 = vector.broadcast %add3A_850 : i32 to vector<16xi32>
      %gather3A_852 = arith.constant 15 : i32
      %gather3A_853 = arith.constant 0 : i32
      %gather3A_854 = arith.constant 0 : i32
      %gather3A_855 = tpu.memref_slice %arg6[%gather3A_852, %gather3A_853, %gather3A_854] : memref<16x32x128xf32, #tpu.memory_space<vmem>> -> memref<1x32x128xf32, #tpu.memory_space<vmem>>
      %gather3A_856 = tpu.memref_squeeze %gather3A_855 : memref<1x32x128xf32, #tpu.memory_space<vmem>> -> memref<32x128xf32, #tpu.memory_space<vmem>>
      %gather3A_857 = tpu.vector_load_idx %gather3A_856[%add3A_5, %broadcast_in_dim3A_848] : memref<32x128xf32, #tpu.memory_space<vmem>>[vector<16xi32>, vector<16xi32>], vector<16xf32>,
      tpu.vector_store_idx %arg7[%add3A_5, %broadcast_in_dim3A_851], %gather3A_857 : memref<32x128xf32, #tpu.memory_space<vmem>>[vector<16xi32>, vector<16xi32>], vector<16xf32>,
      %gather3A_858 = arith.constant 15 : i32
      %gather3A_859 = arith.constant 0 : i32
      %gather3A_860 = arith.constant 0 : i32
      %gather3A_861 = tpu.memref_slice %arg6[%gather3A_858, %gather3A_859, %gather3A_860] : memref<16x32x128xf32, #tpu.memory_space<vmem>> -> memref<1x32x128xf32, #tpu.memory_space<vmem>>
      %gather3A_862 = tpu.memref_squeeze %gather3A_861 : memref<1x32x128xf32, #tpu.memory_space<vmem>> -> memref<32x128xf32, #tpu.memory_space<vmem>>
      %gather3A_863 = tpu.vector_load_idx %gather3A_862[%add3A_9, %broadcast_in_dim3A_848] : memref<32x128xf32, #tpu.memory_space<vmem>>[vector<16xi32>, vector<16xi32>], vector<16xf32>,
      tpu.vector_store_idx %arg7[%add3A_9, %broadcast_in_dim3A_851], %gather3A_863 : memref<32x128xf32, #tpu.memory_space<vmem>>[vector<16xi32>, vector<16xi32>], vector<16xf32>,
      %and3A_864 = arith.constant 7 : i32
      %and3A_865 = arith.andi %add3A_18, %and3A_864 : i32
      %eq3A = arith.constant 7 : i32
      %eq3A_866 = arith.cmpi eq, %and3A_865, %eq3A : i32
      %convert_element_type3A = arith.extui %eq3A_866 : i1 to i32
      %cond3A = arith.constant 0 : i32
      %cond3A_867 = arith.cmpi ne, %convert_element_type3A, %cond3A : i32
      scf.if %cond3A_867 {
        %shift_right_arithmetic3A_868 = arith.constant 3 : i32
        %shift_right_arithmetic3A_869 = arith.shrsi %add3A_18, %shift_right_arithmetic3A_868 : i32
        %shift_left3A_870 = arith.constant 7 : i32
        %shift_left3A_871 = arith.shli %shift_right_arithmetic3A_869, %shift_left3A_870 : i32
        %add3A_872 = arith.addi %mul3A_2, %shift_left3A_871 : i32
        %multiple_of3A_873 = tpu.assume_multiple %add3A_872, 128 : i32
        "tpu.region"() ({
          %run_scoped3A = tpu.sem_alloc : memref<!tpu.dma_semaphore, #tpu.memory_space<semaphore_mem>>
          %dma_start3A_874 = arith.constant 0 : i32
          %dma_start3A_875 = tpu.memref_slice %arg4[%dma_start3A_874, %multiple_of3A_873] : memref<32x16384xf32, #tpu.memory_space<hbm>> -> memref<32x128xf32, #tpu.memory_space<hbm>>
          %dma_start3A_876 = arith.constant 0 : i32
          %dma_start3A_877 = tpu.memref_slice %arg4[%dma_start3A_876, %multiple_of3A_873] : memref<32x16384xf32, #tpu.memory_space<hbm>> -> memref<32x128xf32, #tpu.memory_space<hbm>>
          tpu.enqueue_dma source(%arg7 : memref<32x128xf32, #tpu.memory_space<vmem>>) target(%dma_start3A_877 : memref<32x128xf32, #tpu.memory_space<hbm>>) target_semaphore(%run_scoped3A : memref<!tpu.dma_semaphore, #tpu.memory_space<semaphore_mem>>)
          %dma_wait3A_878 = arith.constant 0 : i32
          %dma_wait3A_879 = tpu.memref_slice %arg4[%dma_wait3A_878, %multiple_of3A_873] : memref<32x16384xf32, #tpu.memory_space<hbm>> -> memref<32x128xf32, #tpu.memory_space<hbm>>
          %dma_wait3A_880 = arith.constant 0 : i32
          %dma_wait3A_881 = tpu.memref_slice %arg4[%dma_wait3A_880, %multiple_of3A_873] : memref<32x16384xf32, #tpu.memory_space<hbm>> -> memref<32x128xf32, #tpu.memory_space<hbm>>
          tpu.wait_dma2 semaphore(%run_scoped3A : memref<!tpu.dma_semaphore, #tpu.memory_space<semaphore_mem>>) src(%arg7 : memref<32x128xf32, #tpu.memory_space<vmem>>) dst(%dma_wait3A_881 : memref<32x128xf32, #tpu.memory_space<hbm>>)
          tpu.yield
        }) : () -> ()
      } else {
      }
    }
    %scan3A_13 = arith.constant 32 : i32
    return
  }
}

</mosaic_0001>

<sc_bundles>
// kernel: kernel.3.cloned.1.call-start
scs
__scs_entry_jumppad:
0x0: {  	(pc) =	sbr.rel $0x88, $3  }
0x1: {  	(tag) =	ssettag $0x0;
	lr =	simm.s32 $0x1  }
0x2: {  	[smem:$0x3F9F] =	sst lr;
	_ =	strace $0xD0000000  }
0x3: {  	_ = 	snop  }
0x4: {  	_ = 	snop  }
0x5: {  	_ = 	snop  }
0x6: {  	_ = 	snop  }
0x7: {  	_ = 	snop  }
__scs_overlays_trampoline_lowered:
0x8: {  	[smem:$0x3FAE] =	sst s0  }
0x9: {  	[smem:$0x3FAF] =	sst s1  }
0xa: {  	[smem:$0x3FB0] =	sst s2  }
0xb: {  	[smem:$0x3FB1] =	sst s3  }
0xc: {  	[smem:$0x3FB2] =	sst s4  }
0xd: {  	[smem:$0x3FB3] =	sst s5  }
0xe: {  	[smem:$0x3FB4] =	sst s6  }
0xf: {  	[smem:$0x3FB5] =	sst s7  }
0x10: {  	[smem:$0x3FB6] =	sst s8  }
0x11: {  	[smem:$0x3FB7] =	sst s9;
	s0 =	simm.s32 @!p0 $0x0  }
0x12: {  	s1 =	sld [smem:$0x3F9D];
	s0 =	simm.s32 @p0 $0x1  }
0x13: {  	[smem:$0x3FB8] =	sst s0;
	s0 =	simm.s32 @!p1 $0x0  }
0x14: {  	s2 =	sld [smem:$0x3F9C];
	s0 =	simm.s32 @p1 $0x1  }
0x15: {  	[smem:$0x3FB9] =	sst s0;
	s0 =	simm.s32 @!p2 $0x0  }
0x16: {  	s3 =	sld [smem:$0x3FDB];
	s0 =	simm.s32 @p2 $0x1  }
0x17: {  	s4 =	simm.s32 $0x1BF5;
	[smem:$0x3FBB] =	sst s0  }
0x18: {  	s0 =	sld [smem:$0x3F9E];
	_ =	swait.ge [sflag:s4], $0x0  }
0x19: {  	s7 =	sld [smem:$0x3F9F]  }
0x1a: {  	s8 =	sadd.s32 $0xFFFFE003, lr  }
0x1b: {  	s9 =	sadd.s32 $0xFFFFFEF7, lr;
	s5 =	simm.s32 $0xFFFFFFFF;
	p2 =	slt.u32 s8, $0xFFFFF086  }
0x1c: {  	p1 =	slt.u32 s9, $0xF7A;
	s5 =	simm.s32 @!p2 $0x0  }
0x1d: {  	s5 =	simm.s32 @p1 $0x1;
	p0 =	seq.s32 s7, s2  }
0x1e: {  	s7 =	smul.u32 @!p0 $0xF7A, s2;
	p2 =	seq.s32 @!p0 s5, $0x0  }
0x1f: {  	s9 =	smul.u32 $0xF7A, s1;
	s8 =	simm.s32 @!p0 $0x1BF5;
	p2 =	por !p2, p0  }
0x20: {  	[sflag:s8] =	ssyncset.s32 @!p0 $0xFFFFF086;
	s6 =	sadd.s32 @!p0 s3, s7;
	s7 =	simm.s32 @!p0 $0x108  }
0x21: {  	s3 =	sadd.s32 s3, s9;
	s6 =	sadd.s32 @!p0 $0x88, s6;
	s7 =	simm.s32 @p2 $0x1082  }
0x22: {  	[simem:s7], [sflag:s8] =	dma.local @!p0 [hbm:s6], $0xF7A  }
0x23: {  	s9 =	sor.u32 $0xD0000000, s2;
	s6 =	simm.s32 $0x108;
	_ =	swait.ge @!p0 [sflag:s8], $0x0  }
0x24: {  	s3 =	sadd.s32 $0x88, s3;
	s6 =	simm.s32 @!p1 $0x1082;
	[sflag:s4] =	ssyncset.s32 $0xFFFFF086  }
0x25: {  	[simem:s6], [sflag:s4] =	dma.local [hbm:s3], $0xF7A  }
0x26: {  	[smem:$0x3F9F] =	sst s1;
	(tag) =	ssettag s2;
	_ =	strace s9  }
0x27: {  	s1 =	sld [smem:$0x3FAF]  }
0x28: {  	s2 =	sld [smem:$0x3FB0]  }
0x29: {  	s4 =	sld [smem:$0x3FB2]  }
0x2a: {  	p0 =	seq.s32 s5, $0x0;
	s5 =	sld [smem:$0x3FB3]  }
0x2b: {  	s6 =	sld [smem:$0x3FB4]  }
0x2c: {  	s7 =	sld [smem:$0x3FB5]  }
0x2d: {  	s3 =	simm.s32 $0x108;
	s8 =	sld [smem:$0x3FB6]  }
0x2e: {  	s3 =	simm.s32 @!p0 $0x1082;
	s9 =	sld [smem:$0x3FB7]  }
0x2f: {  	lr =	sadd.s32 s0, s3;
	s0 =	sld [smem:$0x3FAE]  }
0x30: {  	s3 =	sld [smem:$0x3FB1]  }
0x31: {  	[smem:$0x3FBA] =	sst s10  }
0x32: {  	s10 =	sld [smem:$0x3FB8];
	_ =	sdelay $0x3  }
0x33: {  	p0 =	seq.s32 s10, $0x1;
	s10 =	sld [smem:$0x3FBA];
	_ =	sdelay $0x3  }
0x34: {  	[smem:$0x3FBA] =	sst s10  }
0x35: {  	s10 =	sld [smem:$0x3FB9];
	_ =	sdelay $0x3  }
0x36: {  	p1 =	seq.s32 s10, $0x1;
	s10 =	sld [smem:$0x3FBA];
	_ =	sdelay $0x3  }
0x37: {  	[smem:$0x3FBA] =	sst s10  }
0x38: {  	s10 =	sld [smem:$0x3FBB]  }
0x39: {  	_ = 	snop;
	(pc) =	sbr.ind lr, $3  }
0x3a: {  	_ = 	snop  }
0x3b: {  	_ = 	snop  }
0x3c: {  	p2 =	seq.s32 s10, $0x1;
	s10 =	sld [smem:$0x3FBA]  }
0x3d: {  	_ =	shalt  }
0x3e: {  	_ =	shalt  }
0x3f: {  	_ =	shalt  }
0x40: {  	_ =	shalt  }
0x41: {  	_ =	shalt  }
0x42: {  	_ =	shalt  }
0x43: {  	_ =	shalt  }
0x44: {  	_ =	shalt  }
0x45: {  	_ =	shalt  }
0x46: {  	_ =	shalt  }
0x47: {  	_ =	shalt  }
0x48: {  	_ =	shalt  }
0x49: {  	_ =	shalt  }
0x4a: {  	_ =	shalt  }
0x4b: {  	_ =	shalt  }
0x4c: {  	_ =	shalt  }
0x4d: {  	_ =	shalt  }
0x4e: {  	_ =	shalt  }
0x4f: {  	_ =	shalt  }
0x50: {  	_ =	shalt  }
0x51: {  	_ =	shalt  }
0x52: {  	_ =	shalt  }
0x53: {  	_ =	shalt  }
0x54: {  	_ =	shalt  }
0x55: {  	_ =	shalt  }
0x56: {  	_ =	shalt  }
0x57: {  	_ =	shalt  }
0x58: {  	_ =	shalt  }
0x59: {  	_ =	shalt  }
0x5a: {  	_ =	shalt  }
0x5b: {  	_ =	shalt  }
0x5c: {  	_ =	shalt  }
0x5d: {  	_ =	shalt  }
0x5e: {  	_ =	shalt  }
0x5f: {  	_ =	shalt  }
0x60: {  	_ =	shalt  }
0x61: {  	_ =	shalt  }
0x62: {  	_ =	shalt  }
0x63: {  	_ =	shalt  }
0x64: {  	_ =	shalt  }
0x65: {  	_ =	shalt  }
0x66: {  	_ =	shalt  }
0x67: {  	_ =	shalt  }
0x68: {  	_ =	shalt  }
0x69: {  	_ =	shalt  }
0x6a: {  	_ =	shalt  }
0x6b: {  	_ =	shalt  }
0x6c: {  	_ =	shalt  }
0x6d: {  	_ =	shalt  }
0x6e: {  	_ =	shalt  }
0x6f: {  	_ =	shalt  }
0x70: {  	_ =	shalt  }
0x71: {  	_ =	shalt  }
0x72: {  	_ =	shalt  }
0x73: {  	_ =	shalt  }
0x74: {  	_ =	shalt  }
0x75: {  	_ =	shalt  }
0x76: {  	_ =	shalt  }
0x77: {  	_ =	shalt  }
0x78: {  	_ =	shalt  }
0x79: {  	_ =	shalt  }
0x7a: {  	_ =	shalt  }
0x7b: {  	_ =	shalt  }
0x7c: {  	_ =	shalt  }
0x7d: {  	_ =	shalt  }
0x7e: {  	_ =	shalt  }
0x7f: {  	_ =	shalt  }
0x80: {  	_ =	shalt  }
0x81: {  	_ =	shalt  }
0x82: {  	_ =	shalt  }
0x83: {  	_ =	shalt  }
0x84: {  	_ =	shalt  }
0x85: {  	_ =	shalt  }
0x86: {  	_ =	shalt  }
0x87: {  	_ =	shalt  }
.Lfunc_end0:
.L_simem_size_0:
called_computation_lowered:
.L_overlay_start_0:
0x88: {  	s2 =	sld [smem:$0x3FD9]  }
0x89: {  	s3 =	sld [smem:$0x3FFE];
	_ =	sdelay $0x1  }
0x8a: {  	s1 =	srdreg.scid  }
0x8b: {  	s0 =	sand.u32 $0x1, s1  }
0x8c: {  	s17 =	sshll.u32 s0, $0xA;
	s2 =	sadd.s32 s3, s2  }
0x8d: {  	s2 =	sadd.s32 s2, s17  }
0x8e: {  	[smem:$0x3FC6] =	sst s2  }
0x8f: {  	_ = 	snop  }
0x90: {  	s2 =	sld [smem:$0x3FC8]  }
0x91: {  	s18 =	sld [smem:$0x3FD0];
	(tm) =	ssettm $0x1  }
0x92: {  	s4 =	sld [smem:$0x3FFB];
	_ =	sdelay $0x3  }
0x93: {  	_ =	strace s4  }
0x94: {  	s4 =	sld [smem:$0x3FFC];
	_ =	sdelay $0x3  }
0x95: {  	_ =	strace s4  }
0x96: {  	s4 =	sld [smem:$0x3FFD];
	_ =	sdelay $0x3  }
0x97: {  	_ =	strace s4  }
0x98: {  	_ =	strace $0x8FFFFFFF  }
0x99: {  	s19 =	sld [smem:$0x3FDB];
	_ =	sdelay $0x1  }
0x9a: {  	s5 =	simm.s32 $_scs_section_size  }
0x9b: {  	s6 =	simm.s32 $_size__tile_overlayer_lowered;
	s7 =	simm.s32 $_tile_overlayer_lowered  }
0x9c: {  	s22 =	simm.s32 $0x1BFF;
	s21 =	sshll.u32 s7, $0x1;
	s4 =	sadd.s32 s5, s19  }
0x9d: {  	s8 =	simm.s32 $0x0;
	s20 =	sshll.u32 s6, $0x1;
	s6 =	sadd.s32 s21, s4  }
0x9e: {  	[timem:s8], [sflag:s22] =	dma.local [hbm:s6], s20  }
0x9f: {  	_ =	swait.ge [sflag:s22], s20  }
0xa0: {  	s5 =	ssub.s32 $0x0, s20;
	[sflag:s22] =	ssyncset.done $0x0  }
0xa1: {  	[sflag:s22] =	ssyncadd.s32 s5;
	_ =	sdelay $0x1  }
0xa2: {  	s23 =	simm.s32 $0x1B8B  }
0xa3: {  	_ =	swait.ge [sflag:s23], $0x1  }
0xa4: {  	[sflag:s23] =	ssyncset.done $0x0  }
0xa5: {  	s25 =	simm.s32 $0x1B8E;
	s24 =	sld [smem:$0x3FFE];
	[sflag:s23] =	ssyncadd.s32 $0xFFFFFFFF  }
0xa6: {  	s26 =	simm.s32 $execute0_lowered;
	[smem:$0x3FD2] =	sst s25  }
0xa7: {  	s6 =	sshll.u32 s26, $0x1;
	_ =	strace $0x80000046;
	[dreg:$0x1] =	wrdreg $0xFFFFFFFF  }
0xa8: {  	s28 =	simm.s32 $_size_execute0_lowered;
	s4 =	sadd.s32 s4, s6;
	[dreg:$0x0] =	wrdreg $0x0  }
0xa9: {  	s6 =	sshll.u32 s28, $0x1;
	[dreg:$0x2] =	wrdreg s4  }
0xaa: {  	[dreg:$0x3] =	wrdreg s6  }
0xab: {  	[dreg:$0x4] =	wrdreg $0xC0  }
0xac: {  	_ =	task [dreg:s8], $0x5FFFF  }
0xad: {  	[dreg:$0x1] =	wrdreg $0xFFFFFFFF  }
0xae: {  	[dreg:$0x0] =	wrdreg $0x60  }
0xaf: {  	[dreg:$0x2] =	wrdreg s24  }
0xb0: {  	[dreg:$0x3] =	wrdreg s2  }
0xb1: {  	[dreg:$0x4] =	wrdreg s18  }
0xb2: {  	[dreg:$0x5] =	wrdreg $0x9  }
0xb3: {  	_ =	task.clear_ibuf [dreg:s8], $0x6FFFF;
	_ =	strace $0x90000046  }
0xb4: {  	s29 =	simm.s32 $0x9;
	_ =	strace $0x80000048  }
0xb5: {  	_ =	swait.ge [sflag:s29], $0x1  }
0xb6: {  	[sflag:s29] =	ssyncadd.s32 $0xFFFFFFFF  }
0xb7: {  	_ =	strace $0x90000048  }
0xb8: {  	_ =	sfence  }
0xb9: {  	s30 =	sld [smem:$0x0];
	_ =	sdelay $0x2  }
0xba: {  	s31 =	sshll.u32 s1, $0xD;
	s1 =	sshrl.u32 s1, $0x2  }
0xbb: {  	s3 =	sand.u32 $0x4000, s31;
	s1 =	sadd.s32 s1, s30  }
0xbc: {  	s0 =	sor.u32 s3, s0;
	s1 =	sshll.u32 s1, $0x11  }
0xbd: {  	s0 =	sor.u32 s1, s0  }
0xbe: {  	s0 =	sadd.s32 $0x8F2B, s0  }
0xbf: {  	[sflag:s0] =	ssyncadd.remote.s32 $0x1  }
0xc0: {  	_ =	sfence.sel $0xFFFF  }
0xc1: {  	[dreg:$0x0] =	wrdreg $0xFFFFFFFF;
	(pc) =	sbr.abs _section_cstart, $3  }
0xc2: {  	[dreg:$0x1] =	wrdreg $0xFFFFFFFF  }
0xc3: {  	_ =	task.clear_ibuf [dreg:s8], $0x2FFFF;
	_ =	strace $0x9FFFFFFF  }
0xc4: {  	(tm) =	ssettm $0x7FFFFFFF  }
0xc5: {  	_ =	shalt  }
tec
execute0_lowered:
.L_overlay_start_1:
0x0: {  	(tag) =	ssettag $0x1  }
0x1: {  	s0 =	rddreg [dreg:$0x0]  }
0x2: {  	s1 =	srdreg.scid;
	s2 =	rddreg [dreg:$0x1]  }
0x3: {  	s3 =	stileid.u32;
	s4 =	rddreg [dreg:$0x2];
	s7 =	simm.s32 $0x0  }
0x4: {  	s9 =	simm.s32 $0x7A1400;
	s21 =	simm.s32 $0x1200;
	s20 =	simm.s32 $0x2200  }
0x5: {  	s22 =	simm.s32 $0x4200;
	s23 =	simm.s32 $0x6200;
	s8 =	simm.s32 $0x7200  }
0x6: {  	s24 =	simm.s32 $0x8200;
	s10 =	simm.s32 $0x9200;
	s26 =	simm.s32 $0x1  }
0x7: {  	s28 =	simm.s32 $0x10200;
	s1 =	sand.u32 $0x1, s1;
	s3 =	sshll.u32 s3, $0x1  }
0x8: {  	[smem:$0x7FF] =	sst s7;
	s7 =	simm.s32 $0x400;
	s3 =	sor.u32 s1, s3  }
0x9: {  	_ =	strace $0x80000047;
	s5 =	sshll.u32 s3, $0x9;
	s3 =	sshll.u32 s3, $0x7  }
0xa: {  	s1 =	ssub.s32 $0x2, s1;
	s6 =	sand.u32 $0x3000, s5;
	s3 =	sand.u32 $0x380, s3  }
0xb: {  	s30 =	sshrl.u32 s1, $0x1;
	s4 =	sadd.s32 s4, s5;
	s3 =	sor.u32 s3, s6  }
0xc: {  	v0 =	vlaneseq.u32;
	s1 =	ssub.s32 s1, s30;
	s5 =	simm.s32 $0x3200;
	s3 =	sshrl.u32 s3, $0x3  }
0xd: {  	v0 =	vmul.u32 $0x80, v0;
	[dreg:$0x4] =	wrdreg s4;
	s31 =	smax.u32 s1, $0x1;
	s0 =	sadd.s32 s3, s0  }
0xe: {  	s4 =	simm.s32 $0x200;
	[dreg:$0x6] =	wrdreg s31;
	s0 =	sadd.s32 $0x400, s0  }
0xf: {  	v1 =	vor.u32 $0x800, v0;
	s6 =	simm.s32 $0x5200;
	s1 =	simm.s32 $0x0;
	[dreg:$0x5] =	wrdreg s0  }
.LBB2_1:
0x10: {  	[dreg:$0x7] =	wrdreg s1;
	s0 =	simm.s32 $0x0  }
0x11: {  	s25 =	rddreg [dreg:$0x5];
	s3 =	simm.s32 $0x80;
	s29 =	simm.s32 $0x2  }
0x12: {  	[tilespmem:s0], [sflag:$0x2] =	stream.strided.gather [hbm4b:s25+s3], $0x200, s7, s3, $0x38;
	[tilespmem:$0x11200] =	vst v63  }
0x13: {  	_ =	swait.ge [sflag:s29], $0x200  }
0x14: {  	s30 =	simm.s32 $0x0;
	[sflag:s29] =	ssyncset.done $0x0  }
0x15: {  	s31 =	simm.s32 $0x0;
	s1 =	simm.s32 $0x0;
	[sflag:s29] =	ssyncadd.s32 $0xFFFFFE00  }
.LBB2_2:
0x16: {  	v2 =	vld [tilespmem:s30+$0x0];
	_ =	sdelay $0x4  }
0x17: {  	(v2sf) =	vpush v2, $0x0;
	_ =	sdelay $0x1  }
0x18: {  	(v2sf) =	vpush v2, $0x1;
	_ =	sdelay $0x6  }
0x19: {  	(v2sf) =	vpush v2, $0x2  }
0x1a: {  	(v2sf) =	vpush v2, $0x3;
	_ =	sdelay $0x4  }
0x1b: {  	s0 =	spop (v2sf);
	(v2sf) =	vpush v2, $0x4;
	_ =	sdelay $0x1  }
0x1c: {  	s19 =	spop (v2sf);
	(v2sf) =	vpush v2, $0x5;
	_ =	sdelay $0x3  }
0x1d: {  	(v2sf) =	vpush v2, $0x6;
	_ =	sdelay $0x2  }
0x1e: {  	s18 =	spop (v2sf)  }
0x1f: {  	s3 =	sand.u32 $0xFFFFF80, s0;
	s17 =	spop (v2sf);
	(v2sf) =	vpush v2, $0x7  }
0x20: {  	s3 =	sadd.s32 s2, s3;
	s25 =	sand.u32 $0xFFFFF80, s19  }
0x21: {  	[tilespmem:s4], [sflag:$0x1] =	stream.strided.gather [hbm4b:s3+s7], $0x1000, s9, s7, $0x38;
	[tilespmem:$0x11200] =	vst v63  }
0x22: {  	s3 =	sadd.s32 s2, s25;
	s29 =	sand.u32 $0xFFFFF80, s18  }
0x23: {  	[tilespmem:s21], [sflag:$0x1] =	stream.strided.gather [hbm4b:s3+s7], $0x1000, s9, s7, $0x38;
	[tilespmem:$0x11200] =	vst v63  }
0x24: {  	s3 =	sadd.s32 s2, s29;
	s16 =	spop (v2sf);
	(v2sf) =	vpush v2, $0x8  }
0x25: {  	[tilespmem:s20], [sflag:$0x1] =	stream.strided.gather [hbm4b:s3+s7], $0x1000, s9, s7, $0x38;
	[tilespmem:$0x11200] =	vst v63  }
0x26: {  	s4 =	sand.u32 $0xFFFFF80, s17;
	s15 =	spop (v2sf);
	(v2sf) =	vpush v2, $0x9  }
0x27: {  	s3 =	sadd.s32 s2, s4  }
0x28: {  	[tilespmem:s5], [sflag:$0x1] =	stream.strided.gather [hbm4b:s3+s7], $0x1000, s9, s7, $0x38;
	[tilespmem:$0x11200] =	vst v63  }
0x29: {  	s11 =	sand.u32 $0xFFFFF80, s16  }
0x2a: {  	s3 =	sadd.s32 s2, s11;
	s12 =	sand.u32 $0xFFFFF80, s15;
	s14 =	spop (v2sf)  }
0x2b: {  	(v2sf) =	vpush v2, $0xA;
	[tilespmem:s22], [sflag:$0x1] =	stream.strided.gather [hbm4b:s3+s7], $0x1000, s9, s7, $0x38;
	[tilespmem:$0x11200] =	vst v63  }
0x2c: {  	s3 =	sadd.s32 s2, s12;
	s13 =	sand.u32 $0xFFFFF80, s14  }
0x2d: {  	(v2sf) =	vpush v2, $0xB;
	[tilespmem:s6], [sflag:$0x1] =	stream.strided.gather [hbm4b:s3+s7], $0x1000, s9, s7, $0x38;
	[tilespmem:$0x11200] =	vst v63  }
0x2e: {  	s3 =	sadd.s32 s2, s13;
	s13 =	spop (v2sf)  }
0x2f: {  	(v2sf) =	vpush v2, $0xC;
	s20 =	sand.u32 $0xFFFFF80, s13  }
0x30: {  	[tilespmem:s23], [sflag:$0x1] =	stream.strided.gather [hbm4b:s3+s7], $0x1000, s9, s7, $0x38;
	[tilespmem:$0x11200] =	vst v63  }
0x31: {  	s3 =	sadd.s32 s2, s20  }
0x32: {  	[tilespmem:s8], [sflag:$0x1] =	stream.strided.gather [hbm4b:s3+s7], $0x1000, s9, s7, $0x38;
	[tilespmem:$0x11200] =	vst v63  }
0x33: {  	s12 =	spop (v2sf)  }
0x34: {  	(v2sf) =	vpush v2, $0xD;
	s23 =	sand.u32 $0xFFFFF80, s12  }
0x35: {  	s11 =	spop (v2sf);
	s3 =	sadd.s32 s2, s23  }
0x36: {  	(v2sf) =	vpush v2, $0xE;
	[tilespmem:s24], [sflag:$0x1] =	stream.strided.gather [hbm4b:s3+s7], $0x1000, s9, s7, $0x38;
	[tilespmem:$0x11200] =	vst v63  }
0x37: {  	s24 =	sand.u32 $0xFFFFF80, s11  }
0x38: {  	s3 =	sadd.s32 s2, s24  }
0x39: {  	[tilespmem:s10], [sflag:$0x1] =	stream.strided.gather [hbm4b:s3+s7], $0x1000, s9, s7, $0x38;
	[tilespmem:$0x11200] =	vst v63  }
0x3a: {  	s10 =	spop (v2sf)  }
0x3b: {  	(v2sf) =	vpush v2, $0xF;
	s25 =	sand.u32 $0xFFFFF80, s10  }
0x3c: {  	s21 =	simm.s32 $0xA200;
	s29 =	spop (v2sf);
	s3 =	sadd.s32 s2, s25  }
0x3d: {  	[tilespmem:s21], [sflag:$0x1] =	stream.strided.gather [hbm4b:s3+s7], $0x1000, s9, s7, $0x38;
	[tilespmem:$0x11200] =	vst v63  }
0x3e: {  	s4 =	spop (v2sf);
	s21 =	sand.u32 $0xFFFFF80, s29  }
0x3f: {  	s5 =	simm.s32 $0xB200;
	s23 =	sand.u32 $0xFFFFF80, s4;
	s3 =	sadd.s32 s2, s21  }
0x40: {  	[tilespmem:s5], [sflag:$0x1] =	stream.strided.gather [hbm4b:s3+s7], $0x1000, s9, s7, $0x38;
	[tilespmem:$0x11200] =	vst v63  }
0x41: {  	s6 =	simm.s32 $0xC200;
	s3 =	sadd.s32 s2, s23  }
0x42: {  	[tilespmem:s6], [sflag:$0x1] =	stream.strided.gather [hbm4b:s3+s7], $0x1000, s9, s7, $0x38;
	[tilespmem:$0x11200] =	vst v63  }
0x43: {  	s25 =	spop (v2sf)  }
0x44: {  	s5 =	sand.u32 $0xFFFFF80, s25  }
0x45: {  	s20 =	simm.s32 $0xD200;
	s6 =	spop (v2sf);
	s3 =	sadd.s32 s2, s5  }
0x46: {  	[tilespmem:s20], [sflag:$0x1] =	stream.strided.gather [hbm4b:s3+s7], $0x1000, s9, s7, $0x38;
	[tilespmem:$0x11200] =	vst v63  }
0x47: {  	s20 =	sand.u32 $0xFFFFF80, s6  }
0x48: {  	s22 =	simm.s32 $0xE200;
	s3 =	sadd.s32 s2, s20  }
0x49: {  	[tilespmem:s22], [sflag:$0x1] =	stream.strided.gather [hbm4b:s3+s7], $0x1000, s9, s7, $0x38;
	[tilespmem:$0x11200] =	vst v63  }
0x4a: {  	s3 =	spop (v2sf)  }
0x4b: {  	s20 =	sand.u32 $0x7F, s0;
	s5 =	sand.u32 $0xFFFFF80, s3  }
0x4c: {  	s8 =	simm.s32 $0xF200;
	v2 =	vor.u32 s20, v0;
	s5 =	sadd.s32 s2, s5  }
0x4d: {  	[tilespmem:s8], [sflag:$0x1] =	stream.strided.gather [hbm4b:s5+s7], $0x1000, s9, s7, $0x38;
	[tilespmem:$0x11200] =	vst v63  }
0x4e: {  	_ =	swait.ge [sflag:s26], $0x1000  }
0x4f: {  	s0 =	sand.u32 $0x7, s1;
	[sflag:s26] =	ssyncset.done $0x0  }
0x50: {  	s21 =	simm.s32 $0x200;
	s5 =	sshll.u32 s0, $0x4;
	[sflag:s26] =	ssyncadd.s32 $0xFFFFF000  }
0x51: {  	v3 =	vor.u32 s5, v0;
	v2 =	vld.idx.msk [tilespmem:v2+s21+$0x0], $0xffff  }
0x52: {  	v4 =	vor.u32 s20, v1;
	_ =	sdelay $0x3  }
0x53: {  	[tilespmem:v3+s28+$0x0] =	vst.idx.msk $0xffff, v2  }
0x54: {  	v3 =	vor.u32 s5, v1;
	v2 =	vld.idx.msk [tilespmem:v4+s21+$0x0], $0xffff;
	_ =	sdelay $0x2  }
0x55: {  	s19 =	sand.u32 $0x7F, s19  }
0x56: {  	v34 =	vor.u32 s19, v0  }
0x57: {  	[tilespmem:v3+s28+$0x0] =	vst.idx.msk $0xffff, v2  }
0x58: {  	_ =	swait.ge [sflag:s26], $0x1000  }
0x59: {  	[sflag:s26] =	ssyncset.done $0x0  }
0x5a: {  	s8 =	sor.u32 $0x1, s5;
	s21 =	simm.s32 $0x1200;
	[sflag:s26] =	ssyncadd.s32 $0xFFFFF000  }
0x5b: {  	v3 =	vor.u32 s8, v0;
	v2 =	vld.idx.msk [tilespmem:v34+s21+$0x0], $0xffff  }
0x5c: {  	v35 =	vor.u32 s19, v1;
	_ =	sdelay $0x3  }
0x5d: {  	[tilespmem:v3+s28+$0x0] =	vst.idx.msk $0xffff, v2  }
0x5e: {  	v3 =	vor.u32 s8, v1;
	v2 =	vld.idx.msk [tilespmem:v35+s21+$0x0], $0xffff;
	_ =	sdelay $0x2  }
0x5f: {  	s18 =	sand.u32 $0x7F, s18  }
0x60: {  	v36 =	vor.u32 s18, v0  }
0x61: {  	[tilespmem:v3+s28+$0x0] =	vst.idx.msk $0xffff, v2  }
0x62: {  	_ =	swait.ge [sflag:s26], $0x1000  }
0x63: {  	[sflag:s26] =	ssyncset.done $0x0  }
0x64: {  	s20 =	simm.s32 $0x2200;
	s8 =	sor.u32 $0x2, s5;
	[sflag:s26] =	ssyncadd.s32 $0xFFFFF000  }
0x65: {  	v3 =	vor.u32 s8, v0;
	v2 =	vld.idx.msk [tilespmem:v36+s20+$0x0], $0xffff  }
0x66: {  	v37 =	vor.u32 s18, v1;
	_ =	sdelay $0x3  }
0x67: {  	[tilespmem:v3+s28+$0x0] =	vst.idx.msk $0xffff, v2  }
0x68: {  	v3 =	vor.u32 s8, v1;
	v2 =	vld.idx.msk [tilespmem:v37+s20+$0x0], $0xffff;
	_ =	sdelay $0x2  }
0x69: {  	s17 =	sand.u32 $0x7F, s17  }
0x6a: {  	v38 =	vor.u32 s17, v0  }
0x6b: {  	[tilespmem:v3+s28+$0x0] =	vst.idx.msk $0xffff, v2  }
0x6c: {  	_ =	swait.ge [sflag:s26], $0x1000  }
0x6d: {  	[sflag:s26] =	ssyncset.done $0x0  }
0x6e: {  	s22 =	simm.s32 $0x3200;
	s19 =	sor.u32 $0x3, s5;
	[sflag:s26] =	ssyncadd.s32 $0xFFFFF000  }
0x6f: {  	v3 =	vor.u32 s19, v0;
	v2 =	vld.idx.msk [tilespmem:v38+s22+$0x0], $0xffff  }
0x70: {  	v39 =	vor.u32 s17, v1;
	_ =	sdelay $0x3  }
0x71: {  	[tilespmem:v3+s28+$0x0] =	vst.idx.msk $0xffff, v2  }
0x72: {  	v3 =	vor.u32 s19, v1;
	v2 =	vld.idx.msk [tilespmem:v39+s22+$0x0], $0xffff;
	_ =	sdelay $0x2  }
0x73: {  	s16 =	sand.u32 $0x7F, s16  }
0x74: {  	v40 =	vor.u32 s16, v0  }
0x75: {  	[tilespmem:v3+s28+$0x0] =	vst.idx.msk $0xffff, v2  }
0x76: {  	_ =	swait.ge [sflag:s26], $0x1000  }
0x77: {  	[sflag:s26] =	ssyncset.done $0x0  }
0x78: {  	s8 =	sor.u32 $0x4, s5;
	s22 =	simm.s32 $0x4200;
	[sflag:s26] =	ssyncadd.s32 $0xFFFFF000  }
0x79: {  	v3 =	vor.u32 s8, v0;
	v2 =	vld.idx.msk [tilespmem:v40+s22+$0x0], $0xffff  }
0x7a: {  	v41 =	vor.u32 s16, v1;
	_ =	sdelay $0x3  }
0x7b: {  	[tilespmem:v3+s28+$0x0] =	vst.idx.msk $0xffff, v2  }
0x7c: {  	v3 =	vor.u32 s8, v1;
	v2 =	vld.idx.msk [tilespmem:v41+s22+$0x0], $0xffff;
	_ =	sdelay $0x2  }
0x7d: {  	s15 =	sand.u32 $0x7F, s15  }
0x7e: {  	v42 =	vor.u32 s15, v0  }
0x7f: {  	[tilespmem:v3+s28+$0x0] =	vst.idx.msk $0xffff, v2  }
0x80: {  	_ =	swait.ge [sflag:s26], $0x1000  }
0x81: {  	[sflag:s26] =	ssyncset.done $0x0  }
0x82: {  	s23 =	simm.s32 $0x5200;
	s17 =	sor.u32 $0x5, s5;
	[sflag:s26] =	ssyncadd.s32 $0xFFFFF000  }
0x83: {  	v3 =	vor.u32 s17, v0;
	v2 =	vld.idx.msk [tilespmem:v42+s23+$0x0], $0xffff  }
0x84: {  	v43 =	vor.u32 s15, v1;
	_ =	sdelay $0x3  }
0x85: {  	[tilespmem:v3+s28+$0x0] =	vst.idx.msk $0xffff, v2  }
0x86: {  	v3 =	vor.u32 s17, v1;
	v2 =	vld.idx.msk [tilespmem:v43+s23+$0x0], $0xffff;
	_ =	sdelay $0x2  }
0x87: {  	s14 =	sand.u32 $0x7F, s14  }
0x88: {  	v44 =	vor.u32 s14, v0  }
0x89: {  	[tilespmem:v3+s28+$0x0] =	vst.idx.msk $0xffff, v2  }
0x8a: {  	_ =	swait.ge [sflag:s26], $0x1000  }
0x8b: {  	[sflag:s26] =	ssyncset.done $0x0  }
0x8c: {  	s18 =	sor.u32 $0x6, s5;
	s23 =	simm.s32 $0x6200;
	[sflag:s26] =	ssyncadd.s32 $0xFFFFF000  }
0x8d: {  	v3 =	vor.u32 s18, v0;
	v2 =	vld.idx.msk [tilespmem:v44+s23+$0x0], $0xffff  }
0x8e: {  	v45 =	vor.u32 s14, v1;
	_ =	sdelay $0x3  }
0x8f: {  	[tilespmem:v3+s28+$0x0] =	vst.idx.msk $0xffff, v2  }
0x90: {  	v3 =	vor.u32 s18, v1;
	v2 =	vld.idx.msk [tilespmem:v45+s23+$0x0], $0xffff;
	_ =	sdelay $0x2  }
0x91: {  	s13 =	sand.u32 $0x7F, s13  }
0x92: {  	v46 =	vor.u32 s13, v0  }
0x93: {  	[tilespmem:v3+s28+$0x0] =	vst.idx.msk $0xffff, v2  }
0x94: {  	_ =	swait.ge [sflag:s26], $0x1000  }
0x95: {  	[sflag:s26] =	ssyncset.done $0x0  }
0x96: {  	s24 =	simm.s32 $0x7200;
	s19 =	sor.u32 $0x7, s5;
	[sflag:s26] =	ssyncadd.s32 $0xFFFFF000  }
0x97: {  	v3 =	vor.u32 s19, v0;
	v2 =	vld.idx.msk [tilespmem:v46+s24+$0x0], $0xffff  }
0x98: {  	v47 =	vor.u32 s13, v1;
	_ =	sdelay $0x3  }
0x99: {  	[tilespmem:v3+s28+$0x0] =	vst.idx.msk $0xffff, v2  }
0x9a: {  	v3 =	vor.u32 s19, v1;
	v2 =	vld.idx.msk [tilespmem:v47+s24+$0x0], $0xffff;
	_ =	sdelay $0x2  }
0x9b: {  	s12 =	sand.u32 $0x7F, s12  }
0x9c: {  	v48 =	vor.u32 s12, v0  }
0x9d: {  	[tilespmem:v3+s28+$0x0] =	vst.idx.msk $0xffff, v2  }
0x9e: {  	_ =	swait.ge [sflag:s26], $0x1000  }
0x9f: {  	[sflag:s26] =	ssyncset.done $0x0  }
0xa0: {  	s8 =	sor.u32 $0x8, s5;
	s24 =	simm.s32 $0x8200;
	[sflag:s26] =	ssyncadd.s32 $0xFFFFF000  }
0xa1: {  	v3 =	vor.u32 s8, v0;
	v2 =	vld.idx.msk [tilespmem:v48+s24+$0x0], $0xffff  }
0xa2: {  	v49 =	vor.u32 s12, v1;
	_ =	sdelay $0x3  }
0xa3: {  	[tilespmem:v3+s28+$0x0] =	vst.idx.msk $0xffff, v2  }
0xa4: {  	v3 =	vor.u32 s8, v1;
	v2 =	vld.idx.msk [tilespmem:v49+s24+$0x0], $0xffff;
	_ =	sdelay $0x2  }
0xa5: {  	s11 =	sand.u32 $0x7F, s11  }
0xa6: {  	v50 =	vor.u32 s11, v0  }
0xa7: {  	[tilespmem:v3+s28+$0x0] =	vst.idx.msk $0xffff, v2  }
0xa8: {  	_ =	swait.ge [sflag:s26], $0x1000  }
0xa9: {  	[sflag:s26] =	ssyncset.done $0x0  }
0xaa: {  	s15 =	simm.s32 $0x9200;
	s14 =	sor.u32 $0x9, s5;
	[sflag:s26] =	ssyncadd.s32 $0xFFFFF000  }
0xab: {  	v3 =	vor.u32 s14, v0;
	v2 =	vld.idx.msk [tilespmem:v50+s15+$0x0], $0xffff  }
0xac: {  	v51 =	vor.u32 s11, v1;
	_ =	sdelay $0x3  }
0xad: {  	s16 =	simm.s32 $0x9200;
	[tilespmem:v3+s28+$0x0] =	vst.idx.msk $0xffff, v2  }
0xae: {  	v3 =	vor.u32 s14, v1;
	v2 =	vld.idx.msk [tilespmem:v51+s16+$0x0], $0xffff;
	_ =	sdelay $0x2  }
0xaf: {  	s10 =	sand.u32 $0x7F, s10  }
0xb0: {  	v52 =	vor.u32 s10, v0  }
0xb1: {  	[tilespmem:v3+s28+$0x0] =	vst.idx.msk $0xffff, v2  }
0xb2: {  	_ =	swait.ge [sflag:s26], $0x1000  }
0xb3: {  	[sflag:s26] =	ssyncset.done $0x0  }
0xb4: {  	s17 =	simm.s32 $0xA200;
	s18 =	sor.u32 $0xA, s5;
	[sflag:s26] =	ssyncadd.s32 $0xFFFFF000  }
0xb5: {  	v3 =	vor.u32 s18, v0;
	v2 =	vld.idx.msk [tilespmem:v52+s17+$0x0], $0xffff  }
0xb6: {  	v53 =	vor.u32 s10, v1;
	_ =	sdelay $0x3  }
0xb7: {  	[tilespmem:v3+s28+$0x0] =	vst.idx.msk $0xffff, v2  }
0xb8: {  	v3 =	vor.u32 s18, v1;
	v2 =	vld.idx.msk [tilespmem:v53+s17+$0x0], $0xffff;
	_ =	sdelay $0x2  }
0xb9: {  	s29 =	sand.u32 $0x7F, s29  }
0xba: {  	v54 =	vor.u32 s29, v0  }
0xbb: {  	[tilespmem:v3+s28+$0x0] =	vst.idx.msk $0xffff, v2  }
0xbc: {  	_ =	swait.ge [sflag:s26], $0x1000  }
0xbd: {  	[sflag:s26] =	ssyncset.done $0x0  }
0xbe: {  	s19 =	simm.s32 $0xB200;
	s8 =	sor.u32 $0xB, s5;
	[sflag:s26] =	ssyncadd.s32 $0xFFFFF000  }
0xbf: {  	v3 =	vor.u32 s8, v0;
	v2 =	vld.idx.msk [tilespmem:v54+s19+$0x0], $0xffff  }
0xc0: {  	v55 =	vor.u32 s29, v1;
	_ =	sdelay $0x3  }
0xc1: {  	[tilespmem:v3+s28+$0x0] =	vst.idx.msk $0xffff, v2  }
0xc2: {  	v3 =	vor.u32 s8, v1;
	v2 =	vld.idx.msk [tilespmem:v55+s19+$0x0], $0xffff;
	_ =	sdelay $0x2  }
0xc3: {  	s13 =	sand.u32 $0x7F, s4  }
0xc4: {  	v56 =	vor.u32 s13, v0  }
0xc5: {  	[tilespmem:v3+s28+$0x0] =	vst.idx.msk $0xffff, v2  }
0xc6: {  	_ =	swait.ge [sflag:s26], $0x1000  }
0xc7: {  	[sflag:s26] =	ssyncset.done $0x0  }
0xc8: {  	s12 =	simm.s32 $0xC200;
	s14 =	sor.u32 $0xC, s5;
	[sflag:s26] =	ssyncadd.s32 $0xFFFFF000  }
0xc9: {  	v3 =	vor.u32 s14, v0;
	v2 =	vld.idx.msk [tilespmem:v56+s12+$0x0], $0xffff  }
0xca: {  	v57 =	vor.u32 s13, v1;
	_ =	sdelay $0x3  }
0xcb: {  	[tilespmem:v3+s28+$0x0] =	vst.idx.msk $0xffff, v2  }
0xcc: {  	v3 =	vor.u32 s14, v1;
	v2 =	vld.idx.msk [tilespmem:v57+s12+$0x0], $0xffff;
	_ =	sdelay $0x2  }
0xcd: {  	s16 =	sand.u32 $0x7F, s25  }
0xce: {  	v58 =	vor.u32 s16, v0  }
0xcf: {  	[tilespmem:v3+s28+$0x0] =	vst.idx.msk $0xffff, v2  }
0xd0: {  	_ =	swait.ge [sflag:s26], $0x1000  }
0xd1: {  	[sflag:s26] =	ssyncset.done $0x0  }
0xd2: {  	s15 =	simm.s32 $0xD200;
	s17 =	sor.u32 $0xD, s5;
	[sflag:s26] =	ssyncadd.s32 $0xFFFFF000  }
0xd3: {  	v3 =	vor.u32 s17, v0;
	v2 =	vld.idx.msk [tilespmem:v58+s15+$0x0], $0xffff  }
0xd4: {  	v59 =	vor.u32 s16, v1;
	_ =	sdelay $0x3  }
0xd5: {  	[tilespmem:v3+s28+$0x0] =	vst.idx.msk $0xffff, v2  }
0xd6: {  	v2 =	vor.u32 s17, v1;
	v3 =	vld.idx.msk [tilespmem:v59+s15+$0x0], $0xffff;
	_ =	sdelay $0x2  }
0xd7: {  	s19 =	sand.u32 $0x7F, s6  }
0xd8: {  	v60 =	vor.u32 s19, v0  }
0xd9: {  	[tilespmem:v2+s28+$0x0] =	vst.idx.msk $0xffff, v3  }
0xda: {  	_ =	swait.ge [sflag:s26], $0x1000  }
0xdb: {  	[sflag:s26] =	ssyncset.done $0x0  }
0xdc: {  	s18 =	simm.s32 $0xE200;
	s5 =	sor.u32 $0xE, s5;
	[sflag:s26] =	ssyncadd.s32 $0xFFFFF000  }
0xdd: {  	v3 =	vor.u32 s5, v0;
	v2 =	vld.idx.msk [tilespmem:v60+s18+$0x0], $0xffff  }
0xde: {  	v61 =	vor.u32 s19, v1;
	_ =	sdelay $0x3  }
0xdf: {  	[tilespmem:v3+s28+$0x0] =	vst.idx.msk $0xffff, v2  }
0xe0: {  	v3 =	vor.u32 s5, v1;
	v2 =	vld.idx.msk [tilespmem:v61+s18+$0x0], $0xffff;
	_ =	sdelay $0x2  }
0xe1: {  	s3 =	sand.u32 $0x7F, s3  }
0xe2: {  	v62 =	vor.u32 s3, v0  }
0xe3: {  	[tilespmem:v3+s28+$0x0] =	vst.idx.msk $0xffff, v2  }
0xe4: {  	_ =	swait.ge [sflag:s26], $0x1000  }
0xe5: {  	[sflag:s26] =	ssyncset.done $0x0  }
0xe6: {  	s29 =	sshllo.u32 s0, $0x4;
	s25 =	simm.s32 $0xF200;
	[sflag:s26] =	ssyncadd.s32 $0xFFFFF000  }
0xe7: {  	v3 =	vor.u32 s29, v0;
	v2 =	vld.idx.msk [tilespmem:v62+s25+$0x0], $0xffff  }
0xe8: {  	v63 =	vor.u32 s3, v1;
	_ =	sdelay $0x3  }
0xe9: {  	[tilespmem:v3+s28+$0x0] =	vst.idx.msk $0xffff, v2  }
0xea: {  	v3 =	vor.u32 s29, v1;
	v2 =	vld.idx.msk [tilespmem:v63+s25+$0x0], $0xffff;
	_ =	sdelay $0x1  }
0xeb: {  	s1 =	sadd.s32 $0x1, s1  }
0xec: {  	p0 =	sne.s32 s0, $0x7;
	p1 =	sne.s32 s1, $0x20  }
0xed: {  	s4 =	simm.s32 @!p0 $0x20000;
	s0 =	sand.u32 @!p0 $0x180, s31;
	s3 =	rddreg [dreg:$0x4]  }
0xee: {  	s5 =	simm.s32 @!p0 $0x10200;
	s0 =	sadd.s32 @!p0 s0, s3;
	s3 =	simm.s32 @!p0 $0x400;
	[tilespmem:v3+s28+$0x0] =	vst.idx.msk $0xffff, v2  }
0xef: {  	[hbm4b:s0+s3] =	stream.strided.scatter @!p0 [tilespmem:s5], [sflag:$0x2], $0x1000, s4, s3, $0x38;
	[tilespmem:$0x11200] =	vst v63  }
.Ltmp0:
0xf0: {  	_ = 	snop;
	(pc) =	sbr.rel @p1 .LBB2_2-.Ltmp0, $4  }
0xf1: {  	s30 =	sadd.s32 $0x10, s30;
	s0 =	simm.s32 @!p0 $0x2  }
0xf2: {  	s10 =	simm.s32 $0x9200;
	s31 =	sadd.s32 $0x10, s31;
	_ =	swait.ge @!p0 [sflag:s0], $0x1000  }
0xf3: {  	s8 =	simm.s32 $0x7200;
	s6 =	simm.s32 $0x5200;
	[sflag:s0] =	ssyncset.done @!p0 $0x0  }
0xf4: {  	s5 =	simm.s32 $0x3200;
	s4 =	simm.s32 $0x200;
	[sflag:s0] =	ssyncadd.s32 @!p0 $0xFFFFF000  }
0xf5: {  	s1 =	rddreg [dreg:$0x7]  }
0xf6: {  	s0 =	rddreg [dreg:$0x6];
	s1 =	sadd.s32 $0x1, s1  }
0xf7: {  	p0 =	sne.s32 s1, s0  }
.Ltmp1:
0xf8: {  	_ = 	snop;
	(pc) =	sbr.rel @p0 .LBB2_1-.Ltmp1, $1  }
0xf9: {  	_ =	sdelay $0x3  }
0xfa: {  	_ =	sfence.sel $0x180000  }
0xfb: {  	[bflag:$0x0] =	sbarrier.arrive $0xFFFF  }
0xfc: {  	_ =	strace $0x90000047  }
0xfd: {  	s0 =	stileid.u32;
	[bflag:$0x2] =	sbarrier.arrive $0xFFFF  }
0xfe: {  	p0 =	sne.s32 s0, $0x0;
	s0 =	rddreg [dreg:$0x3]  }
0xff: {  	s0 =	sadd.s32 @!p0 $0x100000, s0  }
0x100: {  	[sflag:s0] =	ssyncadd.tile.s32 @!p0 $0x1;
	_ =	shalt  }
.Lfunc_end2:
_tile_overlayer_lowered:
.L_overlay_start_2:
0x101: {  	(tag) =	ssettag $0x2  }
0x102: {  	s0 =	rddreg [dreg:$0x0];
	s2 =	stileid.u32  }
0x103: {  	s1 =	rddreg [dreg:$0x1];
	p0 =	sne.s32 s2, $0x0  }
0x104: {  	s3 =	rddreg [dreg:$0x2];
	[bflag:$0x3] =	sbarrier.arrive $0xFFFF;
	s2 =	simm.s32 @!p0 $0x1C02  }
0x105: {  	[timem:s3], [sflag:s2] =	dma.local @!p0 [hbm:s0], s1  }
0x106: {  	s0 =	simm.s32 @!p0 $0x2  }
0x107: {  	_ =	swait.ge @!p0 [sflag:s0], s1  }
0x108: {  	s1 =	ssub.s32 @!p0 $0x0, s1;
	[sflag:s0] =	ssyncset.done @!p0 $0x0  }
0x109: {  	[sflag:s0] =	ssyncadd.s32 @!p0 s1  }
0x10a: {  	[bflag:$0x3] =	sbarrier.arrive $0xFFFF  }
0x10b: {  	_ =	shalt  }

</sc_bundles>
